<compile_context>
chip_gen: v7x
topology: tpu7x:2x2x1
jax: 0.10.2.dev20260603
libtpu: 0.0.44.dev20260713+nightly
codegen_flags: <defaults>
</compile_context>

<pallas_src>
import functools

import jax
import jax.numpy as jnp
from jax import lax
from jax.experimental import pallas as pl
from jax.experimental.pallas import tpu as pltpu
from jax.experimental.pallas import tpu_sc as plsc

_INFO = plsc.get_sparse_core_info()
_NC, _NS = _INFO.num_cores, _INFO.num_subcores
_NW = _NC * _NS

_BATCH = 16
_SEQ = 1024
_B = _BATCH * _SEQ
_D = 64
_DW = 2 * _D
_L = 16
_BPW = _B // _NW
_CHUNK = 128
_NCHUNK = _BPW // _CHUNK
_WPB = _SEQ // _BPW

_V = 512
_RPS = _V // _NS

_mesh = plsc.VectorSubcoreMesh(core_axis_name="c", subcore_axis_name="s")


@functools.partial(
    pl.kernel,
    mesh=_mesh,
    out_type=jax.ShapeDtypeStruct((_BATCH, _SEQ, _D), jnp.float32),
    scratch_types=[
        pltpu.VMEM((_BPW,), jnp.int32),
        pltpu.VMEM((2, _CHUNK, _DW), jnp.float32),
        pltpu.VMEM((_BPW, _D), jnp.float32),
        pltpu.VMEM_SHARED((_V, _DW), jnp.float32),
        pltpu.SemaphoreType.DMA((_NCHUNK,)),
        pltpu.SemaphoreType.DMA((_NCHUNK,)),
    ],
)
def _gather_kernel(table_hbm, idx_hbm, out_hbm, idx_v, rows_v, outc_v, table_s, gsem, wsem):
    cid = lax.axis_index("c")
    sid = lax.axis_index("s")
    wid = sid * _NC + cid
    row = wid // _WPB
    off = (wid % _WPB) * _BPW
    pltpu.async_copy(
        table_hbm.at[pl.ds(sid * _RPS, _RPS)],
        table_s.at[pl.ds(sid * _RPS, _RPS)],
        wsem.at[0],
    )
    pltpu.sync_copy(idx_hbm.at[row, pl.ds(off, _BPW)], idx_v)
    pltpu.make_async_copy(
        table_hbm.at[pl.ds(sid * _RPS, _RPS)],
        table_s.at[pl.ds(sid * _RPS, _RPS)],
        wsem.at[0],
    ).wait()
    plsc.subcore_barrier()
    for j in range(2):
        pltpu.async_copy(
            table_s.at[idx_v.at[pl.ds(j * _CHUNK, _CHUNK)]],
            rows_v.at[j],
            gsem.at[j],
        )
    for j in range(_NCHUNK):
        slot = j % 2
        pltpu.make_async_copy(
            table_s.at[idx_v.at[pl.ds(j * _CHUNK, _CHUNK)]],
            rows_v.at[slot],
            gsem.at[j],
        ).wait()

        def _compact(i, carry, j=j, slot=slot):
            r = i * 4
            for u in range(4):
                for c in range(_D // _L):
                    outc_v[j * _CHUNK + r + u, pl.ds(c * _L, _L)] = (
                        rows_v[slot, r + u, pl.ds(c * _L, _L)]
                    )
            return carry

        lax.fori_loop(0, _CHUNK // 4, _compact, 0)
        if j + 2 < _NCHUNK:
            pltpu.async_copy(
                table_s.at[idx_v.at[pl.ds((j + 2) * _CHUNK, _CHUNK)]],
                rows_v.at[slot],
                gsem.at[j + 2],
            )
        pltpu.async_copy(
            outc_v.at[pl.ds(j * _CHUNK, _CHUNK)],
            out_hbm.at[row, pl.ds(off + j * _CHUNK, _CHUNK)],
            wsem.at[j],
        )
    for j in range(_NCHUNK):
        pltpu.make_async_copy(
            outc_v.at[pl.ds(j * _CHUNK, _CHUNK)],
            out_hbm.at[row, pl.ds(off + j * _CHUNK, _CHUNK)],
            wsem.at[j],
        ).wait()


def kernel(x, codebook):
    wide = jnp.concatenate([codebook, codebook], axis=1)
    return _gather_kernel(wide, x.astype(jnp.int32))

# --- scband reference (transcript-rebuilt; emitter-appended) ---
"""Pipeline reference for scband-vector-quantizer-23072564314456 (READ-ONLY COPY).

The authoritative reference and input builder live on the scoring server;
editing this copy changes nothing except your own understanding.
"""

import jax, jax.numpy as jnp
import numpy as np


def setup_inputs(seed: int = 0) -> dict:
    key = jax.random.key(seed)
    k1, k2 = jax.random.split(key)
    x = jax.random.randint(k1, (16, 1024), 0, 512, dtype=jnp.int64 if jax.config.jax_enable_x64 else jnp.int32)
    codebook = jax.random.normal(k2, (512, 64), dtype=jnp.float32)
    return {"x": x, "codebook": codebook}


def reference(x, codebook):
    # Faithful translation of nn.Embedding lookup: code = codebook(x)
    code = jnp.take(codebook, x, axis=0)
    return code

if __name__ == "__main__":
    import jax
    _d = setup_inputs()
    print(jax.jit(kernel)(*tuple(_d.values())))

</pallas_src>

<mosaic_0001>
#map = affine_map<(d0, d1) -> (0, 0)>
#map1 = affine_map<(d0, d1) -> (0, 0, 0)>
module attributes {stable_mosaic.version = 14 : i64} {
  func.func @_gather_kernel(%arg0: i32, %arg1: i32, %arg2: memref<512x128xf32, #tpu.memory_space<hbm>>, %arg3: memref<16x1024xi32, #tpu.memory_space<hbm>>, %arg4: memref<16x1024x64xf32, #tpu.memory_space<hbm>>, %arg5: memref<512xi32, #tpu.memory_space<vmem>>, %arg6: memref<2x128x128xf32, #tpu.memory_space<vmem>>, %arg7: memref<512x64xf32, #tpu.memory_space<vmem>>, %arg8: memref<512x128xf32, #tpu.memory_space<vmem_shared>>, %arg9: memref<4x!tpu.dma_semaphore, #tpu.memory_space<semaphore_mem>>, %arg10: memref<4x!tpu.dma_semaphore, #tpu.memory_space<semaphore_mem>>) attributes {dimension_semantics = [#tpu.dimension_semantics<core_parallel>, #tpu.dimension_semantics<subcore_parallel>], iteration_bounds = array<i64: 2, 16>, scalar_prefetch = 0 : i64, scratch_operands = 6 : i64, tpu.core_type = #tpu.core_type<sc_vector_subcore>, window_params = [{transform_indices = #map}, {transform_indices = #map}, {transform_indices = #map1}]} {
    %mul3A = arith.constant 2 : i32
    %mul3A_0 = arith.muli %arg1, %mul3A : i32
    %add3A = arith.addi %mul3A_0, %arg0 : i32
    %jit3A = arith.constant 2 : i32
    %div3A = arith.divsi %add3A, %jit3A : i32
    %sign3A = arith.constant 0 : i32
    %sign3A_1 = arith.cmpi sgt, %add3A, %sign3A : i32
    %sign3A_2 = arith.extui %sign3A_1 : i1 to i32
    %sign3A_3 = arith.constant 0 : i32
    %sign3A_4 = arith.cmpi slt, %add3A, %sign3A_3 : i32
    %sign3A_5 = arith.extui %sign3A_4 : i1 to i32
    %sign3A_6 = arith.subi %sign3A_2, %sign3A_5 : i32
    %sign3A_7 = arith.constant 0 : i32
    %sign3A_8 = arith.cmpi sgt, %jit3A, %sign3A_7 : i32
    %sign3A_9 = arith.extui %sign3A_8 : i1 to i32
    %sign3A_10 = arith.constant 0 : i32
    %sign3A_11 = arith.cmpi slt, %jit3A, %sign3A_10 : i32
    %sign3A_12 = arith.extui %sign3A_11 : i1 to i32
    %sign3A_13 = arith.subi %sign3A_9, %sign3A_12 : i32
    %ne3A = arith.cmpi ne, %sign3A_6, %sign3A_13 : i32
    %rem3A = arith.remsi %add3A, %jit3A : i32
    %ne3A_14 = arith.constant 0 : i32
    %ne3A_15 = arith.cmpi ne, %rem3A, %ne3A_14 : i32
    %and3A = arith.andi %ne3A, %ne3A_15 : i1
    %sub3A = arith.constant 1 : i32
    %sub3A_16 = arith.subi %div3A, %sub3A : i32
    %select_n3A = arith.select %and3A, %sub3A_16, %div3A : i32
    %jit3A_17 = arith.constant 2 : i32
    %eq3A = arith.constant 0 : i32
    %eq3A_18 = arith.cmpi eq, %jit3A_17, %eq3A : i32
    %jit3A_19 = arith.constant 1 : i32
    %select_n3A_20 = arith.select %eq3A_18, %jit3A_19, %jit3A_17 : i32
    %rem3A_21 = arith.remsi %add3A, %select_n3A_20 : i32
    %ne3A_22 = arith.constant 0 : i32
    %ne3A_23 = arith.cmpi ne, %rem3A_21, %ne3A_22 : i32
    %lt3A = arith.constant 0 : i32
    %lt3A_24 = arith.cmpi slt, %rem3A_21, %lt3A : i32
    %lt3A_25 = arith.constant 0 : i32
    %lt3A_26 = arith.cmpi slt, %select_n3A_20, %lt3A_25 : i32
    %ne3A_27 = arith.xori %lt3A_24, %lt3A_26 : i1
    %and3A_28 = arith.andi %ne3A_27, %ne3A_23 : i1
    %add3A_29 = arith.addi %rem3A_21, %select_n3A_20 : i32
    %select_n3A_30 = arith.select %and3A_28, %add3A_29, %rem3A_21 : i32
    %mul3A_31 = arith.constant 512 : i32
    %mul3A_32 = arith.muli %select_n3A_30, %mul3A_31 : i32
    %mul3A_33 = arith.constant 32 : i32
    %mul3A_34 = arith.muli %arg1, %mul3A_33 : i32
    %mul3A_35 = arith.constant 32 : i32
    %mul3A_36 = arith.muli %arg1, %mul3A_35 : i32
    %dma_start3A = arith.constant 0 : i32
    %dma_start3A_37 = tpu.memref_slice %arg10[%dma_start3A] : memref<4x!tpu.dma_semaphore, #tpu.memory_space<semaphore_mem>> -> memref<1x!tpu.dma_semaphore, #tpu.memory_space<semaphore_mem>>
    %dma_start3A_38 = tpu.memref_squeeze %dma_start3A_37 : memref<1x!tpu.dma_semaphore, #tpu.memory_space<semaphore_mem>> -> memref<!tpu.dma_semaphore, #tpu.memory_space<semaphore_mem>>
    %dma_start3A_39 = arith.constant 0 : i32
    %dma_start3A_40 = tpu.memref_slice %arg8[%mul3A_36, %dma_start3A_39] : memref<512x128xf32, #tpu.memory_space<vmem_shared>> -> memref<32x128xf32, #tpu.memory_space<vmem_shared>>
    %dma_start3A_41 = arith.constant 0 : i32
    %dma_start3A_42 = tpu.memref_slice %arg2[%mul3A_34, %dma_start3A_41] : memref<512x128xf32, #tpu.memory_space<hbm>> -> memref<32x128xf32, #tpu.memory_space<hbm>>
    tpu.enqueue_dma source(%dma_start3A_42 : memref<32x128xf32, #tpu.memory_space<hbm>>) target(%dma_start3A_40 : memref<32x128xf32, #tpu.memory_space<vmem_shared>>) target_semaphore(%dma_start3A_38 : memref<!tpu.dma_semaphore, #tpu.memory_space<semaphore_mem>>)
    "tpu.region"() ({
      %run_scoped3A = tpu.sem_alloc : memref<!tpu.dma_semaphore, #tpu.memory_space<semaphore_mem>>
      %dma_start3A_316 = tpu.memref_slice %arg3[%select_n3A, %mul3A_32] : memref<16x1024xi32, #tpu.memory_space<hbm>> -> memref<1x512xi32, #tpu.memory_space<hbm>>
      %dma_start3A_317 = tpu.memref_squeeze %dma_start3A_316 : memref<1x512xi32, #tpu.memory_space<hbm>> -> memref<512xi32, #tpu.memory_space<hbm>>
      %dma_start3A_318 = tpu.memref_slice %arg3[%select_n3A, %mul3A_32] : memref<16x1024xi32, #tpu.memory_space<hbm>> -> memref<1x512xi32, #tpu.memory_space<hbm>>
      %dma_start3A_319 = tpu.memref_squeeze %dma_start3A_318 : memref<1x512xi32, #tpu.memory_space<hbm>> -> memref<512xi32, #tpu.memory_space<hbm>>
      tpu.enqueue_dma source(%dma_start3A_319 : memref<512xi32, #tpu.memory_space<hbm>>) target(%arg5 : memref<512xi32, #tpu.memory_space<vmem>>) target_semaphore(%run_scoped3A : memref<!tpu.dma_semaphore, #tpu.memory_space<semaphore_mem>>)
      %dma_wait3A_320 = tpu.memref_slice %arg3[%select_n3A, %mul3A_32] : memref<16x1024xi32, #tpu.memory_space<hbm>> -> memref<1x512xi32, #tpu.memory_space<hbm>>
      %dma_wait3A_321 = tpu.memref_squeeze %dma_wait3A_320 : memref<1x512xi32, #tpu.memory_space<hbm>> -> memref<512xi32, #tpu.memory_space<hbm>>
      %dma_wait3A_322 = tpu.memref_slice %arg3[%select_n3A, %mul3A_32] : memref<16x1024xi32, #tpu.memory_space<hbm>> -> memref<1x512xi32, #tpu.memory_space<hbm>>
      %dma_wait3A_323 = tpu.memref_squeeze %dma_wait3A_322 : memref<1x512xi32, #tpu.memory_space<hbm>> -> memref<512xi32, #tpu.memory_space<hbm>>
      tpu.wait_dma2 semaphore(%run_scoped3A : memref<!tpu.dma_semaphore, #tpu.memory_space<semaphore_mem>>) src(%dma_wait3A_323 : memref<512xi32, #tpu.memory_space<hbm>>) dst(%arg5 : memref<512xi32, #tpu.memory_space<vmem>>)
      tpu.yield
    }) : () -> ()
    %mul3A_43 = arith.constant 32 : i32
    %mul3A_44 = arith.muli %arg1, %mul3A_43 : i32
    %mul3A_45 = arith.constant 32 : i32
    %mul3A_46 = arith.muli %arg1, %mul3A_45 : i32
    %dma_wait3A = arith.constant 0 : i32
    %dma_wait3A_47 = tpu.memref_slice %arg10[%dma_wait3A] : memref<4x!tpu.dma_semaphore, #tpu.memory_space<semaphore_mem>> -> memref<1x!tpu.dma_semaphore, #tpu.memory_space<semaphore_mem>>
    %dma_wait3A_48 = tpu.memref_squeeze %dma_wait3A_47 : memref<1x!tpu.dma_semaphore, #tpu.memory_space<semaphore_mem>> -> memref<!tpu.dma_semaphore, #tpu.memory_space<semaphore_mem>>
    %dma_wait3A_49 = arith.constant 0 : i32
    %dma_wait3A_50 = tpu.memref_slice %arg8[%mul3A_46, %dma_wait3A_49] : memref<512x128xf32, #tpu.memory_space<vmem_shared>> -> memref<32x128xf32, #tpu.memory_space<vmem_shared>>
    %dma_wait3A_51 = arith.constant 0 : i32
    %dma_wait3A_52 = tpu.memref_slice %arg2[%mul3A_44, %dma_wait3A_51] : memref<512x128xf32, #tpu.memory_space<hbm>> -> memref<32x128xf32, #tpu.memory_space<hbm>>
    tpu.wait_dma2 semaphore(%dma_wait3A_48 : memref<!tpu.dma_semaphore, #tpu.memory_space<semaphore_mem>>) src(%dma_wait3A_52 : memref<32x128xf32, #tpu.memory_space<hbm>>) dst(%dma_wait3A_50 : memref<32x128xf32, #tpu.memory_space<vmem_shared>>)
    %barrier3A = arith.constant 0 : index
    tpu.barrier barrier_id(%barrier3A)
    %dma_start3A_53 = arith.constant 0 : i32
    %dma_start3A_54 = arith.constant 0 : i32
    %dma_start3A_55 = arith.constant 0 : i32
    %dma_start3A_56 = arith.constant 0 : i32
    %dma_start3A_57 = tpu.memref_slice %arg6[%dma_start3A_53, %dma_start3A_55, %dma_start3A_56] : memref<2x128x128xf32, #tpu.memory_space<vmem>> -> memref<1x128x128xf32, #tpu.memory_space<vmem>>
    %dma_start3A_58 = tpu.memref_squeeze %dma_start3A_57 : memref<1x128x128xf32, #tpu.memory_space<vmem>> -> memref<128x128xf32, #tpu.memory_space<vmem>>
    %dma_start3A_59 = arith.constant 0 : i32
    %dma_start3A_60 = tpu.memref_slice %arg5[%dma_start3A_59] : memref<512xi32, #tpu.memory_space<vmem>> -> memref<128xi32, #tpu.memory_space<vmem>>
    %dma_start3A_61 = arith.constant 0 : i32
    %dma_start3A_62 = arith.constant 0 : i32
    %dma_start3A_63 = tpu.memref_slice %arg8[%dma_start3A_61, %dma_start3A_62] : memref<512x128xf32, #tpu.memory_space<vmem_shared>> -> memref<512x128xf32, #tpu.memory_space<vmem_shared>>
    %dma_start3A_64 = tpu.memref_slice %arg9[%dma_start3A_54] : memref<4x!tpu.dma_semaphore, #tpu.memory_space<semaphore_mem>> -> memref<1x!tpu.dma_semaphore, #tpu.memory_space<semaphore_mem>>
    %dma_start3A_65 = tpu.memref_squeeze %dma_start3A_64 : memref<1x!tpu.dma_semaphore, #tpu.memory_space<semaphore_mem>> -> memref<!tpu.dma_semaphore, #tpu.memory_space<semaphore_mem>>
    tpu.enqueue_indirect_dma source(%dma_start3A_63 : memref<512x128xf32, #tpu.memory_space<vmem_shared>>) target(%dma_start3A_58 : memref<128x128xf32, #tpu.memory_space<vmem>>) offsets(%dma_start3A_60 : memref<128xi32, #tpu.memory_space<vmem>>) semaphore(%dma_start3A_65 : memref<!tpu.dma_semaphore, #tpu.memory_space<semaphore_mem>>)
    %dma_start3A_66 = arith.constant 1 : i32
    %dma_start3A_67 = arith.constant 1 : i32
    %dma_start3A_68 = arith.constant 0 : i32
    %dma_start3A_69 = arith.constant 0 : i32
    %dma_start3A_70 = tpu.memref_slice %arg6[%dma_start3A_66, %dma_start3A_68, %dma_start3A_69] : memref<2x128x128xf32, #tpu.memory_space<vmem>> -> memref<1x128x128xf32, #tpu.memory_space<vmem>>
    %dma_start3A_71 = tpu.memref_squeeze %dma_start3A_70 : memref<1x128x128xf32, #tpu.memory_space<vmem>> -> memref<128x128xf32, #tpu.memory_space<vmem>>
    %dma_start3A_72 = arith.constant 128 : i32
    %dma_start3A_73 = tpu.memref_slice %arg5[%dma_start3A_72] : memref<512xi32, #tpu.memory_space<vmem>> -> memref<128xi32, #tpu.memory_space<vmem>>
    %dma_start3A_74 = arith.constant 0 : i32
    %dma_start3A_75 = arith.constant 0 : i32
    %dma_start3A_76 = tpu.memref_slice %arg8[%dma_start3A_74, %dma_start3A_75] : memref<512x128xf32, #tpu.memory_space<vmem_shared>> -> memref<512x128xf32, #tpu.memory_space<vmem_shared>>
    %dma_start3A_77 = tpu.memref_slice %arg9[%dma_start3A_67] : memref<4x!tpu.dma_semaphore, #tpu.memory_space<semaphore_mem>> -> memref<1x!tpu.dma_semaphore, #tpu.memory_space<semaphore_mem>>
    %dma_start3A_78 = tpu.memref_squeeze %dma_start3A_77 : memref<1x!tpu.dma_semaphore, #tpu.memory_space<semaphore_mem>> -> memref<!tpu.dma_semaphore, #tpu.memory_space<semaphore_mem>>
    tpu.enqueue_indirect_dma source(%dma_start3A_76 : memref<512x128xf32, #tpu.memory_space<vmem_shared>>) target(%dma_start3A_71 : memref<128x128xf32, #tpu.memory_space<vmem>>) offsets(%dma_start3A_73 : memref<128xi32, #tpu.memory_space<vmem>>) semaphore(%dma_start3A_78 : memref<!tpu.dma_semaphore, #tpu.memory_space<semaphore_mem>>)
    %dma_wait3A_79 = arith.constant 0 : i32
    %dma_wait3A_80 = arith.constant 0 : i32
    %dma_wait3A_81 = arith.constant 0 : i32
    %dma_wait3A_82 = arith.constant 0 : i32
    %dma_wait3A_83 = tpu.memref_slice %arg6[%dma_wait3A_79, %dma_wait3A_81, %dma_wait3A_82] : memref<2x128x128xf32, #tpu.memory_space<vmem>> -> memref<1x128x128xf32, #tpu.memory_space<vmem>>
    %dma_wait3A_84 = tpu.memref_squeeze %dma_wait3A_83 : memref<1x128x128xf32, #tpu.memory_space<vmem>> -> memref<128x128xf32, #tpu.memory_space<vmem>>
    %dma_wait3A_85 = arith.constant 0 : i32
    %dma_wait3A_86 = tpu.memref_slice %arg5[%dma_wait3A_85] : memref<512xi32, #tpu.memory_space<vmem>> -> memref<128xi32, #tpu.memory_space<vmem>>
    %dma_wait3A_87 = arith.constant 0 : i32
    %dma_wait3A_88 = arith.constant 0 : i32
    %dma_wait3A_89 = tpu.memref_slice %arg8[%dma_wait3A_87, %dma_wait3A_88] : memref<512x128xf32, #tpu.memory_space<vmem_shared>> -> memref<512x128xf32, #tpu.memory_space<vmem_shared>>
    %dma_wait3A_90 = tpu.memref_slice %arg9[%dma_wait3A_80] : memref<4x!tpu.dma_semaphore, #tpu.memory_space<semaphore_mem>> -> memref<1x!tpu.dma_semaphore, #tpu.memory_space<semaphore_mem>>
    %dma_wait3A_91 = tpu.memref_squeeze %dma_wait3A_90 : memref<1x!tpu.dma_semaphore, #tpu.memory_space<semaphore_mem>> -> memref<!tpu.dma_semaphore, #tpu.memory_space<semaphore_mem>>
    tpu.wait_indirect_dma semaphore(%dma_wait3A_91 : memref<!tpu.dma_semaphore, #tpu.memory_space<semaphore_mem>>) src(%dma_wait3A_89 : memref<512x128xf32, #tpu.memory_space<vmem_shared>>) dst(%dma_wait3A_84 : memref<128x128xf32, #tpu.memory_space<vmem>>)
    %scan3A = arith.constant 0 : i32
    %scan3A_92 = arith.constant 0 : i32
    %scan3A_93 = arith.constant 32 : i32
    %scan3A_94 = arith.addi %scan3A_92, %scan3A_93 : i32
    %scan3A_95 = arith.constant 1 : i32
    scf.for %scan3A_316 = %scan3A_92 to %scan3A_94 step %scan3A_95  : i32 {
      %mul3A_317 = arith.constant 4 : i32
      %mul3A_318 = arith.muli %scan3A_316, %mul3A_317 : i32
      %add3A_319 = arith.constant 0 : i32
      %add3A_320 = arith.addi %mul3A_318, %add3A_319 : i32
      %get3A = arith.constant 0 : i32
      %get3A_321 = arith.index_cast %get3A : i32 to index
      %get3A_322 = arith.index_cast %add3A_320 : i32 to index
      %get3A_323 = arith.constant 0 : index
      %get3A_324 = tpu.vector_load %arg6[%get3A_321, %get3A_322, %get3A_323] {strides = array<i32>} : memref<2x128x128xf32, #tpu.memory_space<vmem>>, vector<1x1x16xf32>,
      %get3A_325 = vector.shape_cast %get3A_324 : vector<1x1x16xf32> to vector<16xf32>
      %add3A_326 = arith.constant 0 : i32
      %add3A_327 = arith.addi %add3A_326, %mul3A_318 : i32
      %add3A_328 = arith.constant 0 : i32
      %add3A_329 = arith.addi %add3A_327, %add3A_328 : i32
      %swap3A = arith.index_cast %add3A_329 : i32 to index
      %swap3A_330 = arith.constant 0 : index
      %swap3A_331 = tpu.vector_load %arg7[%swap3A, %swap3A_330] {strides = array<i32>} : memref<512x64xf32, #tpu.memory_space<vmem>>, vector<1x16xf32>,
      %swap3A_332 = vector.shape_cast %swap3A_331 : vector<1x16xf32> to vector<16xf32>
      %swap3A_333 = vector.shape_cast %get3A_325 : vector<16xf32> to vector<1x16xf32>
      tpu.vector_store %arg7[%swap3A, %swap3A_330], %swap3A_333 {strides = array<i32>} : memref<512x64xf32, #tpu.memory_space<vmem>>, vector<1x16xf32>,
      %add3A_334 = arith.constant 0 : i32
      %add3A_335 = arith.addi %mul3A_318, %add3A_334 : i32
      %get3A_336 = arith.constant 0 : i32
      %get3A_337 = arith.index_cast %get3A_336 : i32 to index
      %get3A_338 = arith.index_cast %add3A_335 : i32 to index
      %get3A_339 = arith.constant 16 : index
      %get3A_340 = tpu.vector_load %arg6[%get3A_337, %get3A_338, %get3A_339] {strides = array<i32>} : memref<2x128x128xf32, #tpu.memory_space<vmem>>, vector<1x1x16xf32>,
      %get3A_341 = vector.shape_cast %get3A_340 : vector<1x1x16xf32> to vector<16xf32>
      %add3A_342 = arith.constant 0 : i32
      %add3A_343 = arith.addi %add3A_342, %mul3A_318 : i32
      %add3A_344 = arith.constant 0 : i32
      %add3A_345 = arith.addi %add3A_343, %add3A_344 : i32
      %swap3A_346 = arith.index_cast %add3A_345 : i32 to index
      %swap3A_347 = arith.constant 16 : index
      %swap3A_348 = tpu.vector_load %arg7[%swap3A_346, %swap3A_347] {strides = array<i32>} : memref<512x64xf32, #tpu.memory_space<vmem>>, vector<1x16xf32>,
      %swap3A_349 = vector.shape_cast %swap3A_348 : vector<1x16xf32> to vector<16xf32>
      %swap3A_350 = vector.shape_cast %get3A_341 : vector<16xf32> to vector<1x16xf32>
      tpu.vector_store %arg7[%swap3A_346, %swap3A_347], %swap3A_350 {strides = array<i32>} : memref<512x64xf32, #tpu.memory_space<vmem>>, vector<1x16xf32>,
      %add3A_351 = arith.constant 0 : i32
      %add3A_352 = arith.addi %mul3A_318, %add3A_351 : i32
      %get3A_353 = arith.constant 0 : i32
      %get3A_354 = arith.index_cast %get3A_353 : i32 to index
      %get3A_355 = arith.index_cast %add3A_352 : i32 to index
      %get3A_356 = arith.constant 32 : index
      %get3A_357 = tpu.vector_load %arg6[%get3A_354, %get3A_355, %get3A_356] {strides = array<i32>} : memref<2x128x128xf32, #tpu.memory_space<vmem>>, vector<1x1x16xf32>,
      %get3A_358 = vector.shape_cast %get3A_357 : vector<1x1x16xf32> to vector<16xf32>
      %add3A_359 = arith.constant 0 : i32
      %add3A_360 = arith.addi %add3A_359, %mul3A_318 : i32
      %add3A_361 = arith.constant 0 : i32
      %add3A_362 = arith.addi %add3A_360, %add3A_361 : i32
      %swap3A_363 = arith.index_cast %add3A_362 : i32 to index
      %swap3A_364 = arith.constant 32 : index
      %swap3A_365 = tpu.vector_load %arg7[%swap3A_363, %swap3A_364] {strides = array<i32>} : memref<512x64xf32, #tpu.memory_space<vmem>>, vector<1x16xf32>,
      %swap3A_366 = vector.shape_cast %swap3A_365 : vector<1x16xf32> to vector<16xf32>
      %swap3A_367 = vector.shape_cast %get3A_358 : vector<16xf32> to vector<1x16xf32>
      tpu.vector_store %arg7[%swap3A_363, %swap3A_364], %swap3A_367 {strides = array<i32>} : memref<512x64xf32, #tpu.memory_space<vmem>>, vector<1x16xf32>,
      %add3A_368 = arith.constant 0 : i32
      %add3A_369 = arith.addi %mul3A_318, %add3A_368 : i32
      %get3A_370 = arith.constant 0 : i32
      %get3A_371 = arith.index_cast %get3A_370 : i32 to index
      %get3A_372 = arith.index_cast %add3A_369 : i32 to index
      %get3A_373 = arith.constant 48 : index
      %get3A_374 = tpu.vector_load %arg6[%get3A_371, %get3A_372, %get3A_373] {strides = array<i32>} : memref<2x128x128xf32, #tpu.memory_space<vmem>>, vector<1x1x16xf32>,
      %get3A_375 = vector.shape_cast %get3A_374 : vector<1x1x16xf32> to vector<16xf32>
      %add3A_376 = arith.constant 0 : i32
      %add3A_377 = arith.addi %add3A_376, %mul3A_318 : i32
      %add3A_378 = arith.constant 0 : i32
      %add3A_379 = arith.addi %add3A_377, %add3A_378 : i32
      %swap3A_380 = arith.index_cast %add3A_379 : i32 to index
      %swap3A_381 = arith.constant 48 : index
      %swap3A_382 = tpu.vector_load %arg7[%swap3A_380, %swap3A_381] {strides = array<i32>} : memref<512x64xf32, #tpu.memory_space<vmem>>, vector<1x16xf32>,
      %swap3A_383 = vector.shape_cast %swap3A_382 : vector<1x16xf32> to vector<16xf32>
      %swap3A_384 = vector.shape_cast %get3A_375 : vector<16xf32> to vector<1x16xf32>
      tpu.vector_store %arg7[%swap3A_380, %swap3A_381], %swap3A_384 {strides = array<i32>} : memref<512x64xf32, #tpu.memory_space<vmem>>, vector<1x16xf32>,
      %add3A_385 = arith.constant 1 : i32
      %add3A_386 = arith.addi %mul3A_318, %add3A_385 : i32
      %get3A_387 = arith.constant 0 : i32
      %get3A_388 = arith.index_cast %get3A_387 : i32 to index
      %get3A_389 = arith.index_cast %add3A_386 : i32 to index
      %get3A_390 = arith.constant 0 : index
      %get3A_391 = tpu.vector_load %arg6[%get3A_388, %get3A_389, %get3A_390] {strides = array<i32>} : memref<2x128x128xf32, #tpu.memory_space<vmem>>, vector<1x1x16xf32>,
      %get3A_392 = vector.shape_cast %get3A_391 : vector<1x1x16xf32> to vector<16xf32>
      %add3A_393 = arith.constant 0 : i32
      %add3A_394 = arith.addi %add3A_393, %mul3A_318 : i32
      %add3A_395 = arith.constant 1 : i32
      %add3A_396 = arith.addi %add3A_394, %add3A_395 : i32
      %swap3A_397 = arith.index_cast %add3A_396 : i32 to index
      %swap3A_398 = arith.constant 0 : index
      %swap3A_399 = tpu.vector_load %arg7[%swap3A_397, %swap3A_398] {strides = array<i32>} : memref<512x64xf32, #tpu.memory_space<vmem>>, vector<1x16xf32>,
      %swap3A_400 = vector.shape_cast %swap3A_399 : vector<1x16xf32> to vector<16xf32>
      %swap3A_401 = vector.shape_cast %get3A_392 : vector<16xf32> to vector<1x16xf32>
      tpu.vector_store %arg7[%swap3A_397, %swap3A_398], %swap3A_401 {strides = array<i32>} : memref<512x64xf32, #tpu.memory_space<vmem>>, vector<1x16xf32>,
      %add3A_402 = arith.constant 1 : i32
      %add3A_403 = arith.addi %mul3A_318, %add3A_402 : i32
      %get3A_404 = arith.constant 0 : i32
      %get3A_405 = arith.index_cast %get3A_404 : i32 to index
      %get3A_406 = arith.index_cast %add3A_403 : i32 to index
      %get3A_407 = arith.constant 16 : index
      %get3A_408 = tpu.vector_load %arg6[%get3A_405, %get3A_406, %get3A_407] {strides = array<i32>} : memref<2x128x128xf32, #tpu.memory_space<vmem>>, vector<1x1x16xf32>,
      %get3A_409 = vector.shape_cast %get3A_408 : vector<1x1x16xf32> to vector<16xf32>
      %add3A_410 = arith.constant 0 : i32
      %add3A_411 = arith.addi %add3A_410, %mul3A_318 : i32
      %add3A_412 = arith.constant 1 : i32
      %add3A_413 = arith.addi %add3A_411, %add3A_412 : i32
      %swap3A_414 = arith.index_cast %add3A_413 : i32 to index
      %swap3A_415 = arith.constant 16 : index
      %swap3A_416 = tpu.vector_load %arg7[%swap3A_414, %swap3A_415] {strides = array<i32>} : memref<512x64xf32, #tpu.memory_space<vmem>>, vector<1x16xf32>,
      %swap3A_417 = vector.shape_cast %swap3A_416 : vector<1x16xf32> to vector<16xf32>
      %swap3A_418 = vector.shape_cast %get3A_409 : vector<16xf32> to vector<1x16xf32>
      tpu.vector_store %arg7[%swap3A_414, %swap3A_415], %swap3A_418 {strides = array<i32>} : memref<512x64xf32, #tpu.memory_space<vmem>>, vector<1x16xf32>,
      %add3A_419 = arith.constant 1 : i32
      %add3A_420 = arith.addi %mul3A_318, %add3A_419 : i32
      %get3A_421 = arith.constant 0 : i32
      %get3A_422 = arith.index_cast %get3A_421 : i32 to index
      %get3A_423 = arith.index_cast %add3A_420 : i32 to index
      %get3A_424 = arith.constant 32 : index
      %get3A_425 = tpu.vector_load %arg6[%get3A_422, %get3A_423, %get3A_424] {strides = array<i32>} : memref<2x128x128xf32, #tpu.memory_space<vmem>>, vector<1x1x16xf32>,
      %get3A_426 = vector.shape_cast %get3A_425 : vector<1x1x16xf32> to vector<16xf32>
      %add3A_427 = arith.constant 0 : i32
      %add3A_428 = arith.addi %add3A_427, %mul3A_318 : i32
      %add3A_429 = arith.constant 1 : i32
      %add3A_430 = arith.addi %add3A_428, %add3A_429 : i32
      %swap3A_431 = arith.index_cast %add3A_430 : i32 to index
      %swap3A_432 = arith.constant 32 : index
      %swap3A_433 = tpu.vector_load %arg7[%swap3A_431, %swap3A_432] {strides = array<i32>} : memref<512x64xf32, #tpu.memory_space<vmem>>, vector<1x16xf32>,
      %swap3A_434 = vector.shape_cast %swap3A_433 : vector<1x16xf32> to vector<16xf32>
      %swap3A_435 = vector.shape_cast %get3A_426 : vector<16xf32> to vector<1x16xf32>
      tpu.vector_store %arg7[%swap3A_431, %swap3A_432], %swap3A_435 {strides = array<i32>} : memref<512x64xf32, #tpu.memory_space<vmem>>, vector<1x16xf32>,
      %add3A_436 = arith.constant 1 : i32
      %add3A_437 = arith.addi %mul3A_318, %add3A_436 : i32
      %get3A_438 = arith.constant 0 : i32
      %get3A_439 = arith.index_cast %get3A_438 : i32 to index
      %get3A_440 = arith.index_cast %add3A_437 : i32 to index
      %get3A_441 = arith.constant 48 : index
      %get3A_442 = tpu.vector_load %arg6[%get3A_439, %get3A_440, %get3A_441] {strides = array<i32>} : memref<2x128x128xf32, #tpu.memory_space<vmem>>, vector<1x1x16xf32>,
      %get3A_443 = vector.shape_cast %get3A_442 : vector<1x1x16xf32> to vector<16xf32>
      %add3A_444 = arith.constant 0 : i32
      %add3A_445 = arith.addi %add3A_444, %mul3A_318 : i32
      %add3A_446 = arith.constant 1 : i32
      %add3A_447 = arith.addi %add3A_445, %add3A_446 : i32
      %swap3A_448 = arith.index_cast %add3A_447 : i32 to index
      %swap3A_449 = arith.constant 48 : index
      %swap3A_450 = tpu.vector_load %arg7[%swap3A_448, %swap3A_449] {strides = array<i32>} : memref<512x64xf32, #tpu.memory_space<vmem>>, vector<1x16xf32>,
      %swap3A_451 = vector.shape_cast %swap3A_450 : vector<1x16xf32> to vector<16xf32>
      %swap3A_452 = vector.shape_cast %get3A_443 : vector<16xf32> to vector<1x16xf32>
      tpu.vector_store %arg7[%swap3A_448, %swap3A_449], %swap3A_452 {strides = array<i32>} : memref<512x64xf32, #tpu.memory_space<vmem>>, vector<1x16xf32>,
      %add3A_453 = arith.constant 2 : i32
      %add3A_454 = arith.addi %mul3A_318, %add3A_453 : i32
      %get3A_455 = arith.constant 0 : i32
      %get3A_456 = arith.index_cast %get3A_455 : i32 to index
      %get3A_457 = arith.index_cast %add3A_454 : i32 to index
      %get3A_458 = arith.constant 0 : index
      %get3A_459 = tpu.vector_load %arg6[%get3A_456, %get3A_457, %get3A_458] {strides = array<i32>} : memref<2x128x128xf32, #tpu.memory_space<vmem>>, vector<1x1x16xf32>,
      %get3A_460 = vector.shape_cast %get3A_459 : vector<1x1x16xf32> to vector<16xf32>
      %add3A_461 = arith.constant 0 : i32
      %add3A_462 = arith.addi %add3A_461, %mul3A_318 : i32
      %add3A_463 = arith.constant 2 : i32
      %add3A_464 = arith.addi %add3A_462, %add3A_463 : i32
      %swap3A_465 = arith.index_cast %add3A_464 : i32 to index
      %swap3A_466 = arith.constant 0 : index
      %swap3A_467 = tpu.vector_load %arg7[%swap3A_465, %swap3A_466] {strides = array<i32>} : memref<512x64xf32, #tpu.memory_space<vmem>>, vector<1x16xf32>,
      %swap3A_468 = vector.shape_cast %swap3A_467 : vector<1x16xf32> to vector<16xf32>
      %swap3A_469 = vector.shape_cast %get3A_460 : vector<16xf32> to vector<1x16xf32>
      tpu.vector_store %arg7[%swap3A_465, %swap3A_466], %swap3A_469 {strides = array<i32>} : memref<512x64xf32, #tpu.memory_space<vmem>>, vector<1x16xf32>,
      %add3A_470 = arith.constant 2 : i32
      %add3A_471 = arith.addi %mul3A_318, %add3A_470 : i32
      %get3A_472 = arith.constant 0 : i32
      %get3A_473 = arith.index_cast %get3A_472 : i32 to index
      %get3A_474 = arith.index_cast %add3A_471 : i32 to index
      %get3A_475 = arith.constant 16 : index
      %get3A_476 = tpu.vector_load %arg6[%get3A_473, %get3A_474, %get3A_475] {strides = array<i32>} : memref<2x128x128xf32, #tpu.memory_space<vmem>>, vector<1x1x16xf32>,
      %get3A_477 = vector.shape_cast %get3A_476 : vector<1x1x16xf32> to vector<16xf32>
      %add3A_478 = arith.constant 0 : i32
      %add3A_479 = arith.addi %add3A_478, %mul3A_318 : i32
      %add3A_480 = arith.constant 2 : i32
      %add3A_481 = arith.addi %add3A_479, %add3A_480 : i32
      %swap3A_482 = arith.index_cast %add3A_481 : i32 to index
      %swap3A_483 = arith.constant 16 : index
      %swap3A_484 = tpu.vector_load %arg7[%swap3A_482, %swap3A_483] {strides = array<i32>} : memref<512x64xf32, #tpu.memory_space<vmem>>, vector<1x16xf32>,
      %swap3A_485 = vector.shape_cast %swap3A_484 : vector<1x16xf32> to vector<16xf32>
      %swap3A_486 = vector.shape_cast %get3A_477 : vector<16xf32> to vector<1x16xf32>
      tpu.vector_store %arg7[%swap3A_482, %swap3A_483], %swap3A_486 {strides = array<i32>} : memref<512x64xf32, #tpu.memory_space<vmem>>, vector<1x16xf32>,
      %add3A_487 = arith.constant 2 : i32
      %add3A_488 = arith.addi %mul3A_318, %add3A_487 : i32
      %get3A_489 = arith.constant 0 : i32
      %get3A_490 = arith.index_cast %get3A_489 : i32 to index
      %get3A_491 = arith.index_cast %add3A_488 : i32 to index
      %get3A_492 = arith.constant 32 : index
      %get3A_493 = tpu.vector_load %arg6[%get3A_490, %get3A_491, %get3A_492] {strides = array<i32>} : memref<2x128x128xf32, #tpu.memory_space<vmem>>, vector<1x1x16xf32>,
      %get3A_494 = vector.shape_cast %get3A_493 : vector<1x1x16xf32> to vector<16xf32>
      %add3A_495 = arith.constant 0 : i32
      %add3A_496 = arith.addi %add3A_495, %mul3A_318 : i32
      %add3A_497 = arith.constant 2 : i32
      %add3A_498 = arith.addi %add3A_496, %add3A_497 : i32
      %swap3A_499 = arith.index_cast %add3A_498 : i32 to index
      %swap3A_500 = arith.constant 32 : index
      %swap3A_501 = tpu.vector_load %arg7[%swap3A_499, %swap3A_500] {strides = array<i32>} : memref<512x64xf32, #tpu.memory_space<vmem>>, vector<1x16xf32>,
      %swap3A_502 = vector.shape_cast %swap3A_501 : vector<1x16xf32> to vector<16xf32>
      %swap3A_503 = vector.shape_cast %get3A_494 : vector<16xf32> to vector<1x16xf32>
      tpu.vector_store %arg7[%swap3A_499, %swap3A_500], %swap3A_503 {strides = array<i32>} : memref<512x64xf32, #tpu.memory_space<vmem>>, vector<1x16xf32>,
      %add3A_504 = arith.constant 2 : i32
      %add3A_505 = arith.addi %mul3A_318, %add3A_504 : i32
      %get3A_506 = arith.constant 0 : i32
      %get3A_507 = arith.index_cast %get3A_506 : i32 to index
      %get3A_508 = arith.index_cast %add3A_505 : i32 to index
      %get3A_509 = arith.constant 48 : index
      %get3A_510 = tpu.vector_load %arg6[%get3A_507, %get3A_508, %get3A_509] {strides = array<i32>} : memref<2x128x128xf32, #tpu.memory_space<vmem>>, vector<1x1x16xf32>,
      %get3A_511 = vector.shape_cast %get3A_510 : vector<1x1x16xf32> to vector<16xf32>
      %add3A_512 = arith.constant 0 : i32
      %add3A_513 = arith.addi %add3A_512, %mul3A_318 : i32
      %add3A_514 = arith.constant 2 : i32
      %add3A_515 = arith.addi %add3A_513, %add3A_514 : i32
      %swap3A_516 = arith.index_cast %add3A_515 : i32 to index
      %swap3A_517 = arith.constant 48 : index
      %swap3A_518 = tpu.vector_load %arg7[%swap3A_516, %swap3A_517] {strides = array<i32>} : memref<512x64xf32, #tpu.memory_space<vmem>>, vector<1x16xf32>,
      %swap3A_519 = vector.shape_cast %swap3A_518 : vector<1x16xf32> to vector<16xf32>
      %swap3A_520 = vector.shape_cast %get3A_511 : vector<16xf32> to vector<1x16xf32>
      tpu.vector_store %arg7[%swap3A_516, %swap3A_517], %swap3A_520 {strides = array<i32>} : memref<512x64xf32, #tpu.memory_space<vmem>>, vector<1x16xf32>,
      %add3A_521 = arith.constant 3 : i32
      %add3A_522 = arith.addi %mul3A_318, %add3A_521 : i32
      %get3A_523 = arith.constant 0 : i32
      %get3A_524 = arith.index_cast %get3A_523 : i32 to index
      %get3A_525 = arith.index_cast %add3A_522 : i32 to index
      %get3A_526 = arith.constant 0 : index
      %get3A_527 = tpu.vector_load %arg6[%get3A_524, %get3A_525, %get3A_526] {strides = array<i32>} : memref<2x128x128xf32, #tpu.memory_space<vmem>>, vector<1x1x16xf32>,
      %get3A_528 = vector.shape_cast %get3A_527 : vector<1x1x16xf32> to vector<16xf32>
      %add3A_529 = arith.constant 0 : i32
      %add3A_530 = arith.addi %add3A_529, %mul3A_318 : i32
      %add3A_531 = arith.constant 3 : i32
      %add3A_532 = arith.addi %add3A_530, %add3A_531 : i32
      %swap3A_533 = arith.index_cast %add3A_532 : i32 to index
      %swap3A_534 = arith.constant 0 : index
      %swap3A_535 = tpu.vector_load %arg7[%swap3A_533, %swap3A_534] {strides = array<i32>} : memref<512x64xf32, #tpu.memory_space<vmem>>, vector<1x16xf32>,
      %swap3A_536 = vector.shape_cast %swap3A_535 : vector<1x16xf32> to vector<16xf32>
      %swap3A_537 = vector.shape_cast %get3A_528 : vector<16xf32> to vector<1x16xf32>
      tpu.vector_store %arg7[%swap3A_533, %swap3A_534], %swap3A_537 {strides = array<i32>} : memref<512x64xf32, #tpu.memory_space<vmem>>, vector<1x16xf32>,
      %add3A_538 = arith.constant 3 : i32
      %add3A_539 = arith.addi %mul3A_318, %add3A_538 : i32
      %get3A_540 = arith.constant 0 : i32
      %get3A_541 = arith.index_cast %get3A_540 : i32 to index
      %get3A_542 = arith.index_cast %add3A_539 : i32 to index
      %get3A_543 = arith.constant 16 : index
      %get3A_544 = tpu.vector_load %arg6[%get3A_541, %get3A_542, %get3A_543] {strides = array<i32>} : memref<2x128x128xf32, #tpu.memory_space<vmem>>, vector<1x1x16xf32>,
      %get3A_545 = vector.shape_cast %get3A_544 : vector<1x1x16xf32> to vector<16xf32>
      %add3A_546 = arith.constant 0 : i32
      %add3A_547 = arith.addi %add3A_546, %mul3A_318 : i32
      %add3A_548 = arith.constant 3 : i32
      %add3A_549 = arith.addi %add3A_547, %add3A_548 : i32
      %swap3A_550 = arith.index_cast %add3A_549 : i32 to index
      %swap3A_551 = arith.constant 16 : index
      %swap3A_552 = tpu.vector_load %arg7[%swap3A_550, %swap3A_551] {strides = array<i32>} : memref<512x64xf32, #tpu.memory_space<vmem>>, vector<1x16xf32>,
      %swap3A_553 = vector.shape_cast %swap3A_552 : vector<1x16xf32> to vector<16xf32>
      %swap3A_554 = vector.shape_cast %get3A_545 : vector<16xf32> to vector<1x16xf32>
      tpu.vector_store %arg7[%swap3A_550, %swap3A_551], %swap3A_554 {strides = array<i32>} : memref<512x64xf32, #tpu.memory_space<vmem>>, vector<1x16xf32>,
      %add3A_555 = arith.constant 3 : i32
      %add3A_556 = arith.addi %mul3A_318, %add3A_555 : i32
      %get3A_557 = arith.constant 0 : i32
      %get3A_558 = arith.index_cast %get3A_557 : i32 to index
      %get3A_559 = arith.index_cast %add3A_556 : i32 to index
      %get3A_560 = arith.constant 32 : index
      %get3A_561 = tpu.vector_load %arg6[%get3A_558, %get3A_559, %get3A_560] {strides = array<i32>} : memref<2x128x128xf32, #tpu.memory_space<vmem>>, vector<1x1x16xf32>,
      %get3A_562 = vector.shape_cast %get3A_561 : vector<1x1x16xf32> to vector<16xf32>
      %add3A_563 = arith.constant 0 : i32
      %add3A_564 = arith.addi %add3A_563, %mul3A_318 : i32
      %add3A_565 = arith.constant 3 : i32
      %add3A_566 = arith.addi %add3A_564, %add3A_565 : i32
      %swap3A_567 = arith.index_cast %add3A_566 : i32 to index
      %swap3A_568 = arith.constant 32 : index
      %swap3A_569 = tpu.vector_load %arg7[%swap3A_567, %swap3A_568] {strides = array<i32>} : memref<512x64xf32, #tpu.memory_space<vmem>>, vector<1x16xf32>,
      %swap3A_570 = vector.shape_cast %swap3A_569 : vector<1x16xf32> to vector<16xf32>
      %swap3A_571 = vector.shape_cast %get3A_562 : vector<16xf32> to vector<1x16xf32>
      tpu.vector_store %arg7[%swap3A_567, %swap3A_568], %swap3A_571 {strides = array<i32>} : memref<512x64xf32, #tpu.memory_space<vmem>>, vector<1x16xf32>,
      %add3A_572 = arith.constant 3 : i32
      %add3A_573 = arith.addi %mul3A_318, %add3A_572 : i32
      %get3A_574 = arith.constant 0 : i32
      %get3A_575 = arith.index_cast %get3A_574 : i32 to index
      %get3A_576 = arith.index_cast %add3A_573 : i32 to index
      %get3A_577 = arith.constant 48 : index
      %get3A_578 = tpu.vector_load %arg6[%get3A_575, %get3A_576, %get3A_577] {strides = array<i32>} : memref<2x128x128xf32, #tpu.memory_space<vmem>>, vector<1x1x16xf32>,
      %get3A_579 = vector.shape_cast %get3A_578 : vector<1x1x16xf32> to vector<16xf32>
      %add3A_580 = arith.constant 0 : i32
      %add3A_581 = arith.addi %add3A_580, %mul3A_318 : i32
      %add3A_582 = arith.constant 3 : i32
      %add3A_583 = arith.addi %add3A_581, %add3A_582 : i32
      %swap3A_584 = arith.index_cast %add3A_583 : i32 to index
      %swap3A_585 = arith.constant 48 : index
      %swap3A_586 = tpu.vector_load %arg7[%swap3A_584, %swap3A_585] {strides = array<i32>} : memref<512x64xf32, #tpu.memory_space<vmem>>, vector<1x16xf32>,
      %swap3A_587 = vector.shape_cast %swap3A_586 : vector<1x16xf32> to vector<16xf32>
      %swap3A_588 = vector.shape_cast %get3A_579 : vector<16xf32> to vector<1x16xf32>
      tpu.vector_store %arg7[%swap3A_584, %swap3A_585], %swap3A_588 {strides = array<i32>} : memref<512x64xf32, #tpu.memory_space<vmem>>, vector<1x16xf32>,
    }
    %scan3A_96 = arith.constant 32 : i32
    %dma_start3A_97 = arith.constant 0 : i32
    %dma_start3A_98 = arith.constant 2 : i32
    %dma_start3A_99 = arith.constant 0 : i32
    %dma_start3A_100 = arith.constant 0 : i32
    %dma_start3A_101 = tpu.memref_slice %arg6[%dma_start3A_97, %dma_start3A_99, %dma_start3A_100] : memref<2x128x128xf32, #tpu.memory_space<vmem>> -> memref<1x128x128xf32, #tpu.memory_space<vmem>>
    %dma_start3A_102 = tpu.memref_squeeze %dma_start3A_101 : memref<1x128x128xf32, #tpu.memory_space<vmem>> -> memref<128x128xf32, #tpu.memory_space<vmem>>
    %dma_start3A_103 = arith.constant 256 : i32
    %dma_start3A_104 = tpu.memref_slice %arg5[%dma_start3A_103] : memref<512xi32, #tpu.memory_space<vmem>> -> memref<128xi32, #tpu.memory_space<vmem>>
    %dma_start3A_105 = arith.constant 0 : i32
    %dma_start3A_106 = arith.constant 0 : i32
    %dma_start3A_107 = tpu.memref_slice %arg8[%dma_start3A_105, %dma_start3A_106] : memref<512x128xf32, #tpu.memory_space<vmem_shared>> -> memref<512x128xf32, #tpu.memory_space<vmem_shared>>
    %dma_start3A_108 = tpu.memref_slice %arg9[%dma_start3A_98] : memref<4x!tpu.dma_semaphore, #tpu.memory_space<semaphore_mem>> -> memref<1x!tpu.dma_semaphore, #tpu.memory_space<semaphore_mem>>
    %dma_start3A_109 = tpu.memref_squeeze %dma_start3A_108 : memref<1x!tpu.dma_semaphore, #tpu.memory_space<semaphore_mem>> -> memref<!tpu.dma_semaphore, #tpu.memory_space<semaphore_mem>>
    tpu.enqueue_indirect_dma source(%dma_start3A_107 : memref<512x128xf32, #tpu.memory_space<vmem_shared>>) target(%dma_start3A_102 : memref<128x128xf32, #tpu.memory_space<vmem>>) offsets(%dma_start3A_104 : memref<128xi32, #tpu.memory_space<vmem>>) semaphore(%dma_start3A_109 : memref<!tpu.dma_semaphore, #tpu.memory_space<semaphore_mem>>)
    %add3A_110 = arith.constant 0 : i32
    %add3A_111 = arith.addi %mul3A_32, %add3A_110 : i32
    %dma_start3A_112 = arith.constant 0 : i32
    %dma_start3A_113 = arith.constant 0 : i32
    %dma_start3A_114 = arith.constant 0 : i32
    %dma_start3A_115 = tpu.memref_slice %arg7[%dma_start3A_113, %dma_start3A_114] : memref<512x64xf32, #tpu.memory_space<vmem>> -> memref<128x64xf32, #tpu.memory_space<vmem>>
    %dma_start3A_116 = arith.constant 0 : i32
    %dma_start3A_117 = tpu.memref_slice %arg4[%select_n3A, %add3A_111, %dma_start3A_116] : memref<16x1024x64xf32, #tpu.memory_space<hbm>> -> memref<1x128x64xf32, #tpu.memory_space<hbm>>
    %dma_start3A_118 = tpu.memref_squeeze %dma_start3A_117 : memref<1x128x64xf32, #tpu.memory_space<hbm>> -> memref<128x64xf32, #tpu.memory_space<hbm>>
    %dma_start3A_119 = tpu.memref_slice %arg10[%dma_start3A_112] : memref<4x!tpu.dma_semaphore, #tpu.memory_space<semaphore_mem>> -> memref<1x!tpu.dma_semaphore, #tpu.memory_space<semaphore_mem>>
    %dma_start3A_120 = tpu.memref_squeeze %dma_start3A_119 : memref<1x!tpu.dma_semaphore, #tpu.memory_space<semaphore_mem>> -> memref<!tpu.dma_semaphore, #tpu.memory_space<semaphore_mem>>
    %dma_start3A_121 = arith.constant 0 : i32
    %dma_start3A_122 = tpu.memref_slice %arg4[%select_n3A, %add3A_111, %dma_start3A_121] : memref<16x1024x64xf32, #tpu.memory_space<hbm>> -> memref<1x128x64xf32, #tpu.memory_space<hbm>>
    %dma_start3A_123 = tpu.memref_squeeze %dma_start3A_122 : memref<1x128x64xf32, #tpu.memory_space<hbm>> -> memref<128x64xf32, #tpu.memory_space<hbm>>
    %dma_start3A_124 = arith.constant 0 : i32
    %dma_start3A_125 = arith.constant 0 : i32
    %dma_start3A_126 = tpu.memref_slice %arg7[%dma_start3A_124, %dma_start3A_125] : memref<512x64xf32, #tpu.memory_space<vmem>> -> memref<128x64xf32, #tpu.memory_space<vmem>>
    tpu.enqueue_dma source(%dma_start3A_126 : memref<128x64xf32, #tpu.memory_space<vmem>>) target(%dma_start3A_123 : memref<128x64xf32, #tpu.memory_space<hbm>>) target_semaphore(%dma_start3A_120 : memref<!tpu.dma_semaphore, #tpu.memory_space<semaphore_mem>>)
    %dma_wait3A_127 = arith.constant 1 : i32
    %dma_wait3A_128 = arith.constant 1 : i32
    %dma_wait3A_129 = arith.constant 0 : i32
    %dma_wait3A_130 = arith.constant 0 : i32
    %dma_wait3A_131 = tpu.memref_slice %arg6[%dma_wait3A_127, %dma_wait3A_129, %dma_wait3A_130] : memref<2x128x128xf32, #tpu.memory_space<vmem>> -> memref<1x128x128xf32, #tpu.memory_space<vmem>>
    %dma_wait3A_132 = tpu.memref_squeeze %dma_wait3A_131 : memref<1x128x128xf32, #tpu.memory_space<vmem>> -> memref<128x128xf32, #tpu.memory_space<vmem>>
    %dma_wait3A_133 = arith.constant 128 : i32
    %dma_wait3A_134 = tpu.memref_slice %arg5[%dma_wait3A_133] : memref<512xi32, #tpu.memory_space<vmem>> -> memref<128xi32, #tpu.memory_space<vmem>>
    %dma_wait3A_135 = arith.constant 0 : i32
    %dma_wait3A_136 = arith.constant 0 : i32
    %dma_wait3A_137 = tpu.memref_slice %arg8[%dma_wait3A_135, %dma_wait3A_136] : memref<512x128xf32, #tpu.memory_space<vmem_shared>> -> memref<512x128xf32, #tpu.memory_space<vmem_shared>>
    %dma_wait3A_138 = tpu.memref_slice %arg9[%dma_wait3A_128] : memref<4x!tpu.dma_semaphore, #tpu.memory_space<semaphore_mem>> -> memref<1x!tpu.dma_semaphore, #tpu.memory_space<semaphore_mem>>
    %dma_wait3A_139 = tpu.memref_squeeze %dma_wait3A_138 : memref<1x!tpu.dma_semaphore, #tpu.memory_space<semaphore_mem>> -> memref<!tpu.dma_semaphore, #tpu.memory_space<semaphore_mem>>
    tpu.wait_indirect_dma semaphore(%dma_wait3A_139 : memref<!tpu.dma_semaphore, #tpu.memory_space<semaphore_mem>>) src(%dma_wait3A_137 : memref<512x128xf32, #tpu.memory_space<vmem_shared>>) dst(%dma_wait3A_132 : memref<128x128xf32, #tpu.memory_space<vmem>>)
    %scan3A_140 = arith.constant 0 : i32
    %scan3A_141 = arith.constant 0 : i32
    %scan3A_142 = arith.constant 32 : i32
    %scan3A_143 = arith.addi %scan3A_141, %scan3A_142 : i32
    %scan3A_144 = arith.constant 1 : i32
    scf.for %scan3A_316 = %scan3A_141 to %scan3A_143 step %scan3A_144  : i32 {
      %mul3A_317 = arith.constant 4 : i32
      %mul3A_318 = arith.muli %scan3A_316, %mul3A_317 : i32
      %add3A_319 = arith.constant 0 : i32
      %add3A_320 = arith.addi %mul3A_318, %add3A_319 : i32
      %get3A = arith.constant 1 : i32
      %get3A_321 = arith.index_cast %get3A : i32 to index
      %get3A_322 = arith.index_cast %add3A_320 : i32 to index
      %get3A_323 = arith.constant 0 : index
      %get3A_324 = tpu.vector_load %arg6[%get3A_321, %get3A_322, %get3A_323] {strides = array<i32>} : memref<2x128x128xf32, #tpu.memory_space<vmem>>, vector<1x1x16xf32>,
      %get3A_325 = vector.shape_cast %get3A_324 : vector<1x1x16xf32> to vector<16xf32>
      %add3A_326 = arith.constant 128 : i32
      %add3A_327 = arith.addi %add3A_326, %mul3A_318 : i32
      %add3A_328 = arith.constant 0 : i32
      %add3A_329 = arith.addi %add3A_327, %add3A_328 : i32
      %swap3A = arith.index_cast %add3A_329 : i32 to index
      %swap3A_330 = arith.constant 0 : index
      %swap3A_331 = tpu.vector_load %arg7[%swap3A, %swap3A_330] {strides = array<i32>} : memref<512x64xf32, #tpu.memory_space<vmem>>, vector<1x16xf32>,
      %swap3A_332 = vector.shape_cast %swap3A_331 : vector<1x16xf32> to vector<16xf32>
      %swap3A_333 = vector.shape_cast %get3A_325 : vector<16xf32> to vector<1x16xf32>
      tpu.vector_store %arg7[%swap3A, %swap3A_330], %swap3A_333 {strides = array<i32>} : memref<512x64xf32, #tpu.memory_space<vmem>>, vector<1x16xf32>,
      %add3A_334 = arith.constant 0 : i32
      %add3A_335 = arith.addi %mul3A_318, %add3A_334 : i32
      %get3A_336 = arith.constant 1 : i32
      %get3A_337 = arith.index_cast %get3A_336 : i32 to index
      %get3A_338 = arith.index_cast %add3A_335 : i32 to index
      %get3A_339 = arith.constant 16 : index
      %get3A_340 = tpu.vector_load %arg6[%get3A_337, %get3A_338, %get3A_339] {strides = array<i32>} : memref<2x128x128xf32, #tpu.memory_space<vmem>>, vector<1x1x16xf32>,
      %get3A_341 = vector.shape_cast %get3A_340 : vector<1x1x16xf32> to vector<16xf32>
      %add3A_342 = arith.constant 128 : i32
      %add3A_343 = arith.addi %add3A_342, %mul3A_318 : i32
      %add3A_344 = arith.constant 0 : i32
      %add3A_345 = arith.addi %add3A_343, %add3A_344 : i32
      %swap3A_346 = arith.index_cast %add3A_345 : i32 to index
      %swap3A_347 = arith.constant 16 : index
      %swap3A_348 = tpu.vector_load %arg7[%swap3A_346, %swap3A_347] {strides = array<i32>} : memref<512x64xf32, #tpu.memory_space<vmem>>, vector<1x16xf32>,
      %swap3A_349 = vector.shape_cast %swap3A_348 : vector<1x16xf32> to vector<16xf32>
      %swap3A_350 = vector.shape_cast %get3A_341 : vector<16xf32> to vector<1x16xf32>
      tpu.vector_store %arg7[%swap3A_346, %swap3A_347], %swap3A_350 {strides = array<i32>} : memref<512x64xf32, #tpu.memory_space<vmem>>, vector<1x16xf32>,
      %add3A_351 = arith.constant 0 : i32
      %add3A_352 = arith.addi %mul3A_318, %add3A_351 : i32
      %get3A_353 = arith.constant 1 : i32
      %get3A_354 = arith.index_cast %get3A_353 : i32 to index
      %get3A_355 = arith.index_cast %add3A_352 : i32 to index
      %get3A_356 = arith.constant 32 : index
      %get3A_357 = tpu.vector_load %arg6[%get3A_354, %get3A_355, %get3A_356] {strides = array<i32>} : memref<2x128x128xf32, #tpu.memory_space<vmem>>, vector<1x1x16xf32>,
      %get3A_358 = vector.shape_cast %get3A_357 : vector<1x1x16xf32> to vector<16xf32>
      %add3A_359 = arith.constant 128 : i32
      %add3A_360 = arith.addi %add3A_359, %mul3A_318 : i32
      %add3A_361 = arith.constant 0 : i32
      %add3A_362 = arith.addi %add3A_360, %add3A_361 : i32
      %swap3A_363 = arith.index_cast %add3A_362 : i32 to index
      %swap3A_364 = arith.constant 32 : index
      %swap3A_365 = tpu.vector_load %arg7[%swap3A_363, %swap3A_364] {strides = array<i32>} : memref<512x64xf32, #tpu.memory_space<vmem>>, vector<1x16xf32>,
      %swap3A_366 = vector.shape_cast %swap3A_365 : vector<1x16xf32> to vector<16xf32>
      %swap3A_367 = vector.shape_cast %get3A_358 : vector<16xf32> to vector<1x16xf32>
      tpu.vector_store %arg7[%swap3A_363, %swap3A_364], %swap3A_367 {strides = array<i32>} : memref<512x64xf32, #tpu.memory_space<vmem>>, vector<1x16xf32>,
      %add3A_368 = arith.constant 0 : i32
      %add3A_369 = arith.addi %mul3A_318, %add3A_368 : i32
      %get3A_370 = arith.constant 1 : i32
      %get3A_371 = arith.index_cast %get3A_370 : i32 to index
      %get3A_372 = arith.index_cast %add3A_369 : i32 to index
      %get3A_373 = arith.constant 48 : index
      %get3A_374 = tpu.vector_load %arg6[%get3A_371, %get3A_372, %get3A_373] {strides = array<i32>} : memref<2x128x128xf32, #tpu.memory_space<vmem>>, vector<1x1x16xf32>,
      %get3A_375 = vector.shape_cast %get3A_374 : vector<1x1x16xf32> to vector<16xf32>
      %add3A_376 = arith.constant 128 : i32
      %add3A_377 = arith.addi %add3A_376, %mul3A_318 : i32
      %add3A_378 = arith.constant 0 : i32
      %add3A_379 = arith.addi %add3A_377, %add3A_378 : i32
      %swap3A_380 = arith.index_cast %add3A_379 : i32 to index
      %swap3A_381 = arith.constant 48 : index
      %swap3A_382 = tpu.vector_load %arg7[%swap3A_380, %swap3A_381] {strides = array<i32>} : memref<512x64xf32, #tpu.memory_space<vmem>>, vector<1x16xf32>,
      %swap3A_383 = vector.shape_cast %swap3A_382 : vector<1x16xf32> to vector<16xf32>
      %swap3A_384 = vector.shape_cast %get3A_375 : vector<16xf32> to vector<1x16xf32>
      tpu.vector_store %arg7[%swap3A_380, %swap3A_381], %swap3A_384 {strides = array<i32>} : memref<512x64xf32, #tpu.memory_space<vmem>>, vector<1x16xf32>,
      %add3A_385 = arith.constant 1 : i32
      %add3A_386 = arith.addi %mul3A_318, %add3A_385 : i32
      %get3A_387 = arith.constant 1 : i32
      %get3A_388 = arith.index_cast %get3A_387 : i32 to index
      %get3A_389 = arith.index_cast %add3A_386 : i32 to index
      %get3A_390 = arith.constant 0 : index
      %get3A_391 = tpu.vector_load %arg6[%get3A_388, %get3A_389, %get3A_390] {strides = array<i32>} : memref<2x128x128xf32, #tpu.memory_space<vmem>>, vector<1x1x16xf32>,
      %get3A_392 = vector.shape_cast %get3A_391 : vector<1x1x16xf32> to vector<16xf32>
      %add3A_393 = arith.constant 128 : i32
      %add3A_394 = arith.addi %add3A_393, %mul3A_318 : i32
      %add3A_395 = arith.constant 1 : i32
      %add3A_396 = arith.addi %add3A_394, %add3A_395 : i32
      %swap3A_397 = arith.index_cast %add3A_396 : i32 to index
      %swap3A_398 = arith.constant 0 : index
      %swap3A_399 = tpu.vector_load %arg7[%swap3A_397, %swap3A_398] {strides = array<i32>} : memref<512x64xf32, #tpu.memory_space<vmem>>, vector<1x16xf32>,
      %swap3A_400 = vector.shape_cast %swap3A_399 : vector<1x16xf32> to vector<16xf32>
      %swap3A_401 = vector.shape_cast %get3A_392 : vector<16xf32> to vector<1x16xf32>
      tpu.vector_store %arg7[%swap3A_397, %swap3A_398], %swap3A_401 {strides = array<i32>} : memref<512x64xf32, #tpu.memory_space<vmem>>, vector<1x16xf32>,
      %add3A_402 = arith.constant 1 : i32
      %add3A_403 = arith.addi %mul3A_318, %add3A_402 : i32
      %get3A_404 = arith.constant 1 : i32
      %get3A_405 = arith.index_cast %get3A_404 : i32 to index
      %get3A_406 = arith.index_cast %add3A_403 : i32 to index
      %get3A_407 = arith.constant 16 : index
      %get3A_408 = tpu.vector_load %arg6[%get3A_405, %get3A_406, %get3A_407] {strides = array<i32>} : memref<2x128x128xf32, #tpu.memory_space<vmem>>, vector<1x1x16xf32>,
      %get3A_409 = vector.shape_cast %get3A_408 : vector<1x1x16xf32> to vector<16xf32>
      %add3A_410 = arith.constant 128 : i32
      %add3A_411 = arith.addi %add3A_410, %mul3A_318 : i32
      %add3A_412 = arith.constant 1 : i32
      %add3A_413 = arith.addi %add3A_411, %add3A_412 : i32
      %swap3A_414 = arith.index_cast %add3A_413 : i32 to index
      %swap3A_415 = arith.constant 16 : index
      %swap3A_416 = tpu.vector_load %arg7[%swap3A_414, %swap3A_415] {strides = array<i32>} : memref<512x64xf32, #tpu.memory_space<vmem>>, vector<1x16xf32>,
      %swap3A_417 = vector.shape_cast %swap3A_416 : vector<1x16xf32> to vector<16xf32>
      %swap3A_418 = vector.shape_cast %get3A_409 : vector<16xf32> to vector<1x16xf32>
      tpu.vector_store %arg7[%swap3A_414, %swap3A_415], %swap3A_418 {strides = array<i32>} : memref<512x64xf32, #tpu.memory_space<vmem>>, vector<1x16xf32>,
      %add3A_419 = arith.constant 1 : i32
      %add3A_420 = arith.addi %mul3A_318, %add3A_419 : i32
      %get3A_421 = arith.constant 1 : i32
      %get3A_422 = arith.index_cast %get3A_421 : i32 to index
      %get3A_423 = arith.index_cast %add3A_420 : i32 to index
      %get3A_424 = arith.constant 32 : index
      %get3A_425 = tpu.vector_load %arg6[%get3A_422, %get3A_423, %get3A_424] {strides = array<i32>} : memref<2x128x128xf32, #tpu.memory_space<vmem>>, vector<1x1x16xf32>,
      %get3A_426 = vector.shape_cast %get3A_425 : vector<1x1x16xf32> to vector<16xf32>
      %add3A_427 = arith.constant 128 : i32
      %add3A_428 = arith.addi %add3A_427, %mul3A_318 : i32
      %add3A_429 = arith.constant 1 : i32
      %add3A_430 = arith.addi %add3A_428, %add3A_429 : i32
      %swap3A_431 = arith.index_cast %add3A_430 : i32 to index
      %swap3A_432 = arith.constant 32 : index
      %swap3A_433 = tpu.vector_load %arg7[%swap3A_431, %swap3A_432] {strides = array<i32>} : memref<512x64xf32, #tpu.memory_space<vmem>>, vector<1x16xf32>,
      %swap3A_434 = vector.shape_cast %swap3A_433 : vector<1x16xf32> to vector<16xf32>
      %swap3A_435 = vector.shape_cast %get3A_426 : vector<16xf32> to vector<1x16xf32>
      tpu.vector_store %arg7[%swap3A_431, %swap3A_432], %swap3A_435 {strides = array<i32>} : memref<512x64xf32, #tpu.memory_space<vmem>>, vector<1x16xf32>,
      %add3A_436 = arith.constant 1 : i32
      %add3A_437 = arith.addi %mul3A_318, %add3A_436 : i32
      %get3A_438 = arith.constant 1 : i32
      %get3A_439 = arith.index_cast %get3A_438 : i32 to index
      %get3A_440 = arith.index_cast %add3A_437 : i32 to index
      %get3A_441 = arith.constant 48 : index
      %get3A_442 = tpu.vector_load %arg6[%get3A_439, %get3A_440, %get3A_441] {strides = array<i32>} : memref<2x128x128xf32, #tpu.memory_space<vmem>>, vector<1x1x16xf32>,
      %get3A_443 = vector.shape_cast %get3A_442 : vector<1x1x16xf32> to vector<16xf32>
      %add3A_444 = arith.constant 128 : i32
      %add3A_445 = arith.addi %add3A_444, %mul3A_318 : i32
      %add3A_446 = arith.constant 1 : i32
      %add3A_447 = arith.addi %add3A_445, %add3A_446 : i32
      %swap3A_448 = arith.index_cast %add3A_447 : i32 to index
      %swap3A_449 = arith.constant 48 : index
      %swap3A_450 = tpu.vector_load %arg7[%swap3A_448, %swap3A_449] {strides = array<i32>} : memref<512x64xf32, #tpu.memory_space<vmem>>, vector<1x16xf32>,
      %swap3A_451 = vector.shape_cast %swap3A_450 : vector<1x16xf32> to vector<16xf32>
      %swap3A_452 = vector.shape_cast %get3A_443 : vector<16xf32> to vector<1x16xf32>
      tpu.vector_store %arg7[%swap3A_448, %swap3A_449], %swap3A_452 {strides = array<i32>} : memref<512x64xf32, #tpu.memory_space<vmem>>, vector<1x16xf32>,
      %add3A_453 = arith.constant 2 : i32
      %add3A_454 = arith.addi %mul3A_318, %add3A_453 : i32
      %get3A_455 = arith.constant 1 : i32
      %get3A_456 = arith.index_cast %get3A_455 : i32 to index
      %get3A_457 = arith.index_cast %add3A_454 : i32 to index
      %get3A_458 = arith.constant 0 : index
      %get3A_459 = tpu.vector_load %arg6[%get3A_456, %get3A_457, %get3A_458] {strides = array<i32>} : memref<2x128x128xf32, #tpu.memory_space<vmem>>, vector<1x1x16xf32>,
      %get3A_460 = vector.shape_cast %get3A_459 : vector<1x1x16xf32> to vector<16xf32>
      %add3A_461 = arith.constant 128 : i32
      %add3A_462 = arith.addi %add3A_461, %mul3A_318 : i32
      %add3A_463 = arith.constant 2 : i32
      %add3A_464 = arith.addi %add3A_462, %add3A_463 : i32
      %swap3A_465 = arith.index_cast %add3A_464 : i32 to index
      %swap3A_466 = arith.constant 0 : index
      %swap3A_467 = tpu.vector_load %arg7[%swap3A_465, %swap3A_466] {strides = array<i32>} : memref<512x64xf32, #tpu.memory_space<vmem>>, vector<1x16xf32>,
      %swap3A_468 = vector.shape_cast %swap3A_467 : vector<1x16xf32> to vector<16xf32>
      %swap3A_469 = vector.shape_cast %get3A_460 : vector<16xf32> to vector<1x16xf32>
      tpu.vector_store %arg7[%swap3A_465, %swap3A_466], %swap3A_469 {strides = array<i32>} : memref<512x64xf32, #tpu.memory_space<vmem>>, vector<1x16xf32>,
      %add3A_470 = arith.constant 2 : i32
      %add3A_471 = arith.addi %mul3A_318, %add3A_470 : i32
      %get3A_472 = arith.constant 1 : i32
      %get3A_473 = arith.index_cast %get3A_472 : i32 to index
      %get3A_474 = arith.index_cast %add3A_471 : i32 to index
      %get3A_475 = arith.constant 16 : index
      %get3A_476 = tpu.vector_load %arg6[%get3A_473, %get3A_474, %get3A_475] {strides = array<i32>} : memref<2x128x128xf32, #tpu.memory_space<vmem>>, vector<1x1x16xf32>,
      %get3A_477 = vector.shape_cast %get3A_476 : vector<1x1x16xf32> to vector<16xf32>
      %add3A_478 = arith.constant 128 : i32
      %add3A_479 = arith.addi %add3A_478, %mul3A_318 : i32
      %add3A_480 = arith.constant 2 : i32
      %add3A_481 = arith.addi %add3A_479, %add3A_480 : i32
      %swap3A_482 = arith.index_cast %add3A_481 : i32 to index
      %swap3A_483 = arith.constant 16 : index
      %swap3A_484 = tpu.vector_load %arg7[%swap3A_482, %swap3A_483] {strides = array<i32>} : memref<512x64xf32, #tpu.memory_space<vmem>>, vector<1x16xf32>,
      %swap3A_485 = vector.shape_cast %swap3A_484 : vector<1x16xf32> to vector<16xf32>
      %swap3A_486 = vector.shape_cast %get3A_477 : vector<16xf32> to vector<1x16xf32>
      tpu.vector_store %arg7[%swap3A_482, %swap3A_483], %swap3A_486 {strides = array<i32>} : memref<512x64xf32, #tpu.memory_space<vmem>>, vector<1x16xf32>,
      %add3A_487 = arith.constant 2 : i32
      %add3A_488 = arith.addi %mul3A_318, %add3A_487 : i32
      %get3A_489 = arith.constant 1 : i32
      %get3A_490 = arith.index_cast %get3A_489 : i32 to index
      %get3A_491 = arith.index_cast %add3A_488 : i32 to index
      %get3A_492 = arith.constant 32 : index
      %get3A_493 = tpu.vector_load %arg6[%get3A_490, %get3A_491, %get3A_492] {strides = array<i32>} : memref<2x128x128xf32, #tpu.memory_space<vmem>>, vector<1x1x16xf32>,
      %get3A_494 = vector.shape_cast %get3A_493 : vector<1x1x16xf32> to vector<16xf32>
      %add3A_495 = arith.constant 128 : i32
      %add3A_496 = arith.addi %add3A_495, %mul3A_318 : i32
      %add3A_497 = arith.constant 2 : i32
      %add3A_498 = arith.addi %add3A_496, %add3A_497 : i32
      %swap3A_499 = arith.index_cast %add3A_498 : i32 to index
      %swap3A_500 = arith.constant 32 : index
      %swap3A_501 = tpu.vector_load %arg7[%swap3A_499, %swap3A_500] {strides = array<i32>} : memref<512x64xf32, #tpu.memory_space<vmem>>, vector<1x16xf32>,
      %swap3A_502 = vector.shape_cast %swap3A_501 : vector<1x16xf32> to vector<16xf32>
      %swap3A_503 = vector.shape_cast %get3A_494 : vector<16xf32> to vector<1x16xf32>
      tpu.vector_store %arg7[%swap3A_499, %swap3A_500], %swap3A_503 {strides = array<i32>} : memref<512x64xf32, #tpu.memory_space<vmem>>, vector<1x16xf32>,
      %add3A_504 = arith.constant 2 : i32
      %add3A_505 = arith.addi %mul3A_318, %add3A_504 : i32
      %get3A_506 = arith.constant 1 : i32
      %get3A_507 = arith.index_cast %get3A_506 : i32 to index
      %get3A_508 = arith.index_cast %add3A_505 : i32 to index
      %get3A_509 = arith.constant 48 : index
      %get3A_510 = tpu.vector_load %arg6[%get3A_507, %get3A_508, %get3A_509] {strides = array<i32>} : memref<2x128x128xf32, #tpu.memory_space<vmem>>, vector<1x1x16xf32>,
      %get3A_511 = vector.shape_cast %get3A_510 : vector<1x1x16xf32> to vector<16xf32>
      %add3A_512 = arith.constant 128 : i32
      %add3A_513 = arith.addi %add3A_512, %mul3A_318 : i32
      %add3A_514 = arith.constant 2 : i32
      %add3A_515 = arith.addi %add3A_513, %add3A_514 : i32
      %swap3A_516 = arith.index_cast %add3A_515 : i32 to index
      %swap3A_517 = arith.constant 48 : index
      %swap3A_518 = tpu.vector_load %arg7[%swap3A_516, %swap3A_517] {strides = array<i32>} : memref<512x64xf32, #tpu.memory_space<vmem>>, vector<1x16xf32>,
      %swap3A_519 = vector.shape_cast %swap3A_518 : vector<1x16xf32> to vector<16xf32>
      %swap3A_520 = vector.shape_cast %get3A_511 : vector<16xf32> to vector<1x16xf32>
      tpu.vector_store %arg7[%swap3A_516, %swap3A_517], %swap3A_520 {strides = array<i32>} : memref<512x64xf32, #tpu.memory_space<vmem>>, vector<1x16xf32>,
      %add3A_521 = arith.constant 3 : i32
      %add3A_522 = arith.addi %mul3A_318, %add3A_521 : i32
      %get3A_523 = arith.constant 1 : i32
      %get3A_524 = arith.index_cast %get3A_523 : i32 to index
      %get3A_525 = arith.index_cast %add3A_522 : i32 to index
      %get3A_526 = arith.constant 0 : index
      %get3A_527 = tpu.vector_load %arg6[%get3A_524, %get3A_525, %get3A_526] {strides = array<i32>} : memref<2x128x128xf32, #tpu.memory_space<vmem>>, vector<1x1x16xf32>,
      %get3A_528 = vector.shape_cast %get3A_527 : vector<1x1x16xf32> to vector<16xf32>
      %add3A_529 = arith.constant 128 : i32
      %add3A_530 = arith.addi %add3A_529, %mul3A_318 : i32
      %add3A_531 = arith.constant 3 : i32
      %add3A_532 = arith.addi %add3A_530, %add3A_531 : i32
      %swap3A_533 = arith.index_cast %add3A_532 : i32 to index
      %swap3A_534 = arith.constant 0 : index
      %swap3A_535 = tpu.vector_load %arg7[%swap3A_533, %swap3A_534] {strides = array<i32>} : memref<512x64xf32, #tpu.memory_space<vmem>>, vector<1x16xf32>,
      %swap3A_536 = vector.shape_cast %swap3A_535 : vector<1x16xf32> to vector<16xf32>
      %swap3A_537 = vector.shape_cast %get3A_528 : vector<16xf32> to vector<1x16xf32>
      tpu.vector_store %arg7[%swap3A_533, %swap3A_534], %swap3A_537 {strides = array<i32>} : memref<512x64xf32, #tpu.memory_space<vmem>>, vector<1x16xf32>,
      %add3A_538 = arith.constant 3 : i32
      %add3A_539 = arith.addi %mul3A_318, %add3A_538 : i32
      %get3A_540 = arith.constant 1 : i32
      %get3A_541 = arith.index_cast %get3A_540 : i32 to index
      %get3A_542 = arith.index_cast %add3A_539 : i32 to index
      %get3A_543 = arith.constant 16 : index
      %get3A_544 = tpu.vector_load %arg6[%get3A_541, %get3A_542, %get3A_543] {strides = array<i32>} : memref<2x128x128xf32, #tpu.memory_space<vmem>>, vector<1x1x16xf32>,
      %get3A_545 = vector.shape_cast %get3A_544 : vector<1x1x16xf32> to vector<16xf32>
      %add3A_546 = arith.constant 128 : i32
      %add3A_547 = arith.addi %add3A_546, %mul3A_318 : i32
      %add3A_548 = arith.constant 3 : i32
      %add3A_549 = arith.addi %add3A_547, %add3A_548 : i32
      %swap3A_550 = arith.index_cast %add3A_549 : i32 to index
      %swap3A_551 = arith.constant 16 : index
      %swap3A_552 = tpu.vector_load %arg7[%swap3A_550, %swap3A_551] {strides = array<i32>} : memref<512x64xf32, #tpu.memory_space<vmem>>, vector<1x16xf32>,
      %swap3A_553 = vector.shape_cast %swap3A_552 : vector<1x16xf32> to vector<16xf32>
      %swap3A_554 = vector.shape_cast %get3A_545 : vector<16xf32> to vector<1x16xf32>
      tpu.vector_store %arg7[%swap3A_550, %swap3A_551], %swap3A_554 {strides = array<i32>} : memref<512x64xf32, #tpu.memory_space<vmem>>, vector<1x16xf32>,
      %add3A_555 = arith.constant 3 : i32
      %add3A_556 = arith.addi %mul3A_318, %add3A_555 : i32
      %get3A_557 = arith.constant 1 : i32
      %get3A_558 = arith.index_cast %get3A_557 : i32 to index
      %get3A_559 = arith.index_cast %add3A_556 : i32 to index
      %get3A_560 = arith.constant 32 : index
      %get3A_561 = tpu.vector_load %arg6[%get3A_558, %get3A_559, %get3A_560] {strides = array<i32>} : memref<2x128x128xf32, #tpu.memory_space<vmem>>, vector<1x1x16xf32>,
      %get3A_562 = vector.shape_cast %get3A_561 : vector<1x1x16xf32> to vector<16xf32>
      %add3A_563 = arith.constant 128 : i32
      %add3A_564 = arith.addi %add3A_563, %mul3A_318 : i32
      %add3A_565 = arith.constant 3 : i32
      %add3A_566 = arith.addi %add3A_564, %add3A_565 : i32
      %swap3A_567 = arith.index_cast %add3A_566 : i32 to index
      %swap3A_568 = arith.constant 32 : index
      %swap3A_569 = tpu.vector_load %arg7[%swap3A_567, %swap3A_568] {strides = array<i32>} : memref<512x64xf32, #tpu.memory_space<vmem>>, vector<1x16xf32>,
      %swap3A_570 = vector.shape_cast %swap3A_569 : vector<1x16xf32> to vector<16xf32>
      %swap3A_571 = vector.shape_cast %get3A_562 : vector<16xf32> to vector<1x16xf32>
      tpu.vector_store %arg7[%swap3A_567, %swap3A_568], %swap3A_571 {strides = array<i32>} : memref<512x64xf32, #tpu.memory_space<vmem>>, vector<1x16xf32>,
      %add3A_572 = arith.constant 3 : i32
      %add3A_573 = arith.addi %mul3A_318, %add3A_572 : i32
      %get3A_574 = arith.constant 1 : i32
      %get3A_575 = arith.index_cast %get3A_574 : i32 to index
      %get3A_576 = arith.index_cast %add3A_573 : i32 to index
      %get3A_577 = arith.constant 48 : index
      %get3A_578 = tpu.vector_load %arg6[%get3A_575, %get3A_576, %get3A_577] {strides = array<i32>} : memref<2x128x128xf32, #tpu.memory_space<vmem>>, vector<1x1x16xf32>,
      %get3A_579 = vector.shape_cast %get3A_578 : vector<1x1x16xf32> to vector<16xf32>
      %add3A_580 = arith.constant 128 : i32
      %add3A_581 = arith.addi %add3A_580, %mul3A_318 : i32
      %add3A_582 = arith.constant 3 : i32
      %add3A_583 = arith.addi %add3A_581, %add3A_582 : i32
      %swap3A_584 = arith.index_cast %add3A_583 : i32 to index
      %swap3A_585 = arith.constant 48 : index
      %swap3A_586 = tpu.vector_load %arg7[%swap3A_584, %swap3A_585] {strides = array<i32>} : memref<512x64xf32, #tpu.memory_space<vmem>>, vector<1x16xf32>,
      %swap3A_587 = vector.shape_cast %swap3A_586 : vector<1x16xf32> to vector<16xf32>
      %swap3A_588 = vector.shape_cast %get3A_579 : vector<16xf32> to vector<1x16xf32>
      tpu.vector_store %arg7[%swap3A_584, %swap3A_585], %swap3A_588 {strides = array<i32>} : memref<512x64xf32, #tpu.memory_space<vmem>>, vector<1x16xf32>,
    }
    %scan3A_145 = arith.constant 32 : i32
    %dma_start3A_146 = arith.constant 1 : i32
    %dma_start3A_147 = arith.constant 3 : i32
    %dma_start3A_148 = arith.constant 0 : i32
    %dma_start3A_149 = arith.constant 0 : i32
    %dma_start3A_150 = tpu.memref_slice %arg6[%dma_start3A_146, %dma_start3A_148, %dma_start3A_149] : memref<2x128x128xf32, #tpu.memory_space<vmem>> -> memref<1x128x128xf32, #tpu.memory_space<vmem>>
    %dma_start3A_151 = tpu.memref_squeeze %dma_start3A_150 : memref<1x128x128xf32, #tpu.memory_space<vmem>> -> memref<128x128xf32, #tpu.memory_space<vmem>>
    %dma_start3A_152 = arith.constant 384 : i32
    %dma_start3A_153 = tpu.memref_slice %arg5[%dma_start3A_152] : memref<512xi32, #tpu.memory_space<vmem>> -> memref<128xi32, #tpu.memory_space<vmem>>
    %dma_start3A_154 = arith.constant 0 : i32
    %dma_start3A_155 = arith.constant 0 : i32
    %dma_start3A_156 = tpu.memref_slice %arg8[%dma_start3A_154, %dma_start3A_155] : memref<512x128xf32, #tpu.memory_space<vmem_shared>> -> memref<512x128xf32, #tpu.memory_space<vmem_shared>>
    %dma_start3A_157 = tpu.memref_slice %arg9[%dma_start3A_147] : memref<4x!tpu.dma_semaphore, #tpu.memory_space<semaphore_mem>> -> memref<1x!tpu.dma_semaphore, #tpu.memory_space<semaphore_mem>>
    %dma_start3A_158 = tpu.memref_squeeze %dma_start3A_157 : memref<1x!tpu.dma_semaphore, #tpu.memory_space<semaphore_mem>> -> memref<!tpu.dma_semaphore, #tpu.memory_space<semaphore_mem>>
    tpu.enqueue_indirect_dma source(%dma_start3A_156 : memref<512x128xf32, #tpu.memory_space<vmem_shared>>) target(%dma_start3A_151 : memref<128x128xf32, #tpu.memory_space<vmem>>) offsets(%dma_start3A_153 : memref<128xi32, #tpu.memory_space<vmem>>) semaphore(%dma_start3A_158 : memref<!tpu.dma_semaphore, #tpu.memory_space<semaphore_mem>>)
    %add3A_159 = arith.constant 128 : i32
    %add3A_160 = arith.addi %mul3A_32, %add3A_159 : i32
    %dma_start3A_161 = arith.constant 1 : i32
    %dma_start3A_162 = arith.constant 128 : i32
    %dma_start3A_163 = arith.constant 0 : i32
    %dma_start3A_164 = tpu.memref_slice %arg7[%dma_start3A_162, %dma_start3A_163] : memref<512x64xf32, #tpu.memory_space<vmem>> -> memref<128x64xf32, #tpu.memory_space<vmem>>
    %dma_start3A_165 = arith.constant 0 : i32
    %dma_start3A_166 = tpu.memref_slice %arg4[%select_n3A, %add3A_160, %dma_start3A_165] : memref<16x1024x64xf32, #tpu.memory_space<hbm>> -> memref<1x128x64xf32, #tpu.memory_space<hbm>>
    %dma_start3A_167 = tpu.memref_squeeze %dma_start3A_166 : memref<1x128x64xf32, #tpu.memory_space<hbm>> -> memref<128x64xf32, #tpu.memory_space<hbm>>
    %dma_start3A_168 = tpu.memref_slice %arg10[%dma_start3A_161] : memref<4x!tpu.dma_semaphore, #tpu.memory_space<semaphore_mem>> -> memref<1x!tpu.dma_semaphore, #tpu.memory_space<semaphore_mem>>
    %dma_start3A_169 = tpu.memref_squeeze %dma_start3A_168 : memref<1x!tpu.dma_semaphore, #tpu.memory_space<semaphore_mem>> -> memref<!tpu.dma_semaphore, #tpu.memory_space<semaphore_mem>>
    %dma_start3A_170 = arith.constant 0 : i32
    %dma_start3A_171 = tpu.memref_slice %arg4[%select_n3A, %add3A_160, %dma_start3A_170] : memref<16x1024x64xf32, #tpu.memory_space<hbm>> -> memref<1x128x64xf32, #tpu.memory_space<hbm>>
    %dma_start3A_172 = tpu.memref_squeeze %dma_start3A_171 : memref<1x128x64xf32, #tpu.memory_space<hbm>> -> memref<128x64xf32, #tpu.memory_space<hbm>>
    %dma_start3A_173 = arith.constant 128 : i32
    %dma_start3A_174 = arith.constant 0 : i32
    %dma_start3A_175 = tpu.memref_slice %arg7[%dma_start3A_173, %dma_start3A_174] : memref<512x64xf32, #tpu.memory_space<vmem>> -> memref<128x64xf32, #tpu.memory_space<vmem>>
    tpu.enqueue_dma source(%dma_start3A_175 : memref<128x64xf32, #tpu.memory_space<vmem>>) target(%dma_start3A_172 : memref<128x64xf32, #tpu.memory_space<hbm>>) target_semaphore(%dma_start3A_169 : memref<!tpu.dma_semaphore, #tpu.memory_space<semaphore_mem>>)
    %dma_wait3A_176 = arith.constant 0 : i32
    %dma_wait3A_177 = arith.constant 2 : i32
    %dma_wait3A_178 = arith.constant 0 : i32
    %dma_wait3A_179 = arith.constant 0 : i32
    %dma_wait3A_180 = tpu.memref_slice %arg6[%dma_wait3A_176, %dma_wait3A_178, %dma_wait3A_179] : memref<2x128x128xf32, #tpu.memory_space<vmem>> -> memref<1x128x128xf32, #tpu.memory_space<vmem>>
    %dma_wait3A_181 = tpu.memref_squeeze %dma_wait3A_180 : memref<1x128x128xf32, #tpu.memory_space<vmem>> -> memref<128x128xf32, #tpu.memory_space<vmem>>
    %dma_wait3A_182 = arith.constant 256 : i32
    %dma_wait3A_183 = tpu.memref_slice %arg5[%dma_wait3A_182] : memref<512xi32, #tpu.memory_space<vmem>> -> memref<128xi32, #tpu.memory_space<vmem>>
    %dma_wait3A_184 = arith.constant 0 : i32
    %dma_wait3A_185 = arith.constant 0 : i32
    %dma_wait3A_186 = tpu.memref_slice %arg8[%dma_wait3A_184, %dma_wait3A_185] : memref<512x128xf32, #tpu.memory_space<vmem_shared>> -> memref<512x128xf32, #tpu.memory_space<vmem_shared>>
    %dma_wait3A_187 = tpu.memref_slice %arg9[%dma_wait3A_177] : memref<4x!tpu.dma_semaphore, #tpu.memory_space<semaphore_mem>> -> memref<1x!tpu.dma_semaphore, #tpu.memory_space<semaphore_mem>>
    %dma_wait3A_188 = tpu.memref_squeeze %dma_wait3A_187 : memref<1x!tpu.dma_semaphore, #tpu.memory_space<semaphore_mem>> -> memref<!tpu.dma_semaphore, #tpu.memory_space<semaphore_mem>>
    tpu.wait_indirect_dma semaphore(%dma_wait3A_188 : memref<!tpu.dma_semaphore, #tpu.memory_space<semaphore_mem>>) src(%dma_wait3A_186 : memref<512x128xf32, #tpu.memory_space<vmem_shared>>) dst(%dma_wait3A_181 : memref<128x128xf32, #tpu.memory_space<vmem>>)
    %scan3A_189 = arith.constant 0 : i32
    %scan3A_190 = arith.constant 0 : i32
    %scan3A_191 = arith.constant 32 : i32
    %scan3A_192 = arith.addi %scan3A_190, %scan3A_191 : i32
    %scan3A_193 = arith.constant 1 : i32
    scf.for %scan3A_316 = %scan3A_190 to %scan3A_192 step %scan3A_193  : i32 {
      %mul3A_317 = arith.constant 4 : i32
      %mul3A_318 = arith.muli %scan3A_316, %mul3A_317 : i32
      %add3A_319 = arith.constant 0 : i32
      %add3A_320 = arith.addi %mul3A_318, %add3A_319 : i32
      %get3A = arith.constant 0 : i32
      %get3A_321 = arith.index_cast %get3A : i32 to index
      %get3A_322 = arith.index_cast %add3A_320 : i32 to index
      %get3A_323 = arith.constant 0 : index
      %get3A_324 = tpu.vector_load %arg6[%get3A_321, %get3A_322, %get3A_323] {strides = array<i32>} : memref<2x128x128xf32, #tpu.memory_space<vmem>>, vector<1x1x16xf32>,
      %get3A_325 = vector.shape_cast %get3A_324 : vector<1x1x16xf32> to vector<16xf32>
      %add3A_326 = arith.constant 256 : i32
      %add3A_327 = arith.addi %add3A_326, %mul3A_318 : i32
      %add3A_328 = arith.constant 0 : i32
      %add3A_329 = arith.addi %add3A_327, %add3A_328 : i32
      %swap3A = arith.index_cast %add3A_329 : i32 to index
      %swap3A_330 = arith.constant 0 : index
      %swap3A_331 = tpu.vector_load %arg7[%swap3A, %swap3A_330] {strides = array<i32>} : memref<512x64xf32, #tpu.memory_space<vmem>>, vector<1x16xf32>,
      %swap3A_332 = vector.shape_cast %swap3A_331 : vector<1x16xf32> to vector<16xf32>
      %swap3A_333 = vector.shape_cast %get3A_325 : vector<16xf32> to vector<1x16xf32>
      tpu.vector_store %arg7[%swap3A, %swap3A_330], %swap3A_333 {strides = array<i32>} : memref<512x64xf32, #tpu.memory_space<vmem>>, vector<1x16xf32>,
      %add3A_334 = arith.constant 0 : i32
      %add3A_335 = arith.addi %mul3A_318, %add3A_334 : i32
      %get3A_336 = arith.constant 0 : i32
      %get3A_337 = arith.index_cast %get3A_336 : i32 to index
      %get3A_338 = arith.index_cast %add3A_335 : i32 to index
      %get3A_339 = arith.constant 16 : index
      %get3A_340 = tpu.vector_load %arg6[%get3A_337, %get3A_338, %get3A_339] {strides = array<i32>} : memref<2x128x128xf32, #tpu.memory_space<vmem>>, vector<1x1x16xf32>,
      %get3A_341 = vector.shape_cast %get3A_340 : vector<1x1x16xf32> to vector<16xf32>
      %add3A_342 = arith.constant 256 : i32
      %add3A_343 = arith.addi %add3A_342, %mul3A_318 : i32
      %add3A_344 = arith.constant 0 : i32
      %add3A_345 = arith.addi %add3A_343, %add3A_344 : i32
      %swap3A_346 = arith.index_cast %add3A_345 : i32 to index
      %swap3A_347 = arith.constant 16 : index
      %swap3A_348 = tpu.vector_load %arg7[%swap3A_346, %swap3A_347] {strides = array<i32>} : memref<512x64xf32, #tpu.memory_space<vmem>>, vector<1x16xf32>,
      %swap3A_349 = vector.shape_cast %swap3A_348 : vector<1x16xf32> to vector<16xf32>
      %swap3A_350 = vector.shape_cast %get3A_341 : vector<16xf32> to vector<1x16xf32>
      tpu.vector_store %arg7[%swap3A_346, %swap3A_347], %swap3A_350 {strides = array<i32>} : memref<512x64xf32, #tpu.memory_space<vmem>>, vector<1x16xf32>,
      %add3A_351 = arith.constant 0 : i32
      %add3A_352 = arith.addi %mul3A_318, %add3A_351 : i32
      %get3A_353 = arith.constant 0 : i32
      %get3A_354 = arith.index_cast %get3A_353 : i32 to index
      %get3A_355 = arith.index_cast %add3A_352 : i32 to index
      %get3A_356 = arith.constant 32 : index
      %get3A_357 = tpu.vector_load %arg6[%get3A_354, %get3A_355, %get3A_356] {strides = array<i32>} : memref<2x128x128xf32, #tpu.memory_space<vmem>>, vector<1x1x16xf32>,
      %get3A_358 = vector.shape_cast %get3A_357 : vector<1x1x16xf32> to vector<16xf32>
      %add3A_359 = arith.constant 256 : i32
      %add3A_360 = arith.addi %add3A_359, %mul3A_318 : i32
      %add3A_361 = arith.constant 0 : i32
      %add3A_362 = arith.addi %add3A_360, %add3A_361 : i32
      %swap3A_363 = arith.index_cast %add3A_362 : i32 to index
      %swap3A_364 = arith.constant 32 : index
      %swap3A_365 = tpu.vector_load %arg7[%swap3A_363, %swap3A_364] {strides = array<i32>} : memref<512x64xf32, #tpu.memory_space<vmem>>, vector<1x16xf32>,
      %swap3A_366 = vector.shape_cast %swap3A_365 : vector<1x16xf32> to vector<16xf32>
      %swap3A_367 = vector.shape_cast %get3A_358 : vector<16xf32> to vector<1x16xf32>
      tpu.vector_store %arg7[%swap3A_363, %swap3A_364], %swap3A_367 {strides = array<i32>} : memref<512x64xf32, #tpu.memory_space<vmem>>, vector<1x16xf32>,
      %add3A_368 = arith.constant 0 : i32
      %add3A_369 = arith.addi %mul3A_318, %add3A_368 : i32
      %get3A_370 = arith.constant 0 : i32
      %get3A_371 = arith.index_cast %get3A_370 : i32 to index
      %get3A_372 = arith.index_cast %add3A_369 : i32 to index
      %get3A_373 = arith.constant 48 : index
      %get3A_374 = tpu.vector_load %arg6[%get3A_371, %get3A_372, %get3A_373] {strides = array<i32>} : memref<2x128x128xf32, #tpu.memory_space<vmem>>, vector<1x1x16xf32>,
      %get3A_375 = vector.shape_cast %get3A_374 : vector<1x1x16xf32> to vector<16xf32>
      %add3A_376 = arith.constant 256 : i32
      %add3A_377 = arith.addi %add3A_376, %mul3A_318 : i32
      %add3A_378 = arith.constant 0 : i32
      %add3A_379 = arith.addi %add3A_377, %add3A_378 : i32
      %swap3A_380 = arith.index_cast %add3A_379 : i32 to index
      %swap3A_381 = arith.constant 48 : index
      %swap3A_382 = tpu.vector_load %arg7[%swap3A_380, %swap3A_381] {strides = array<i32>} : memref<512x64xf32, #tpu.memory_space<vmem>>, vector<1x16xf32>,
      %swap3A_383 = vector.shape_cast %swap3A_382 : vector<1x16xf32> to vector<16xf32>
      %swap3A_384 = vector.shape_cast %get3A_375 : vector<16xf32> to vector<1x16xf32>
      tpu.vector_store %arg7[%swap3A_380, %swap3A_381], %swap3A_384 {strides = array<i32>} : memref<512x64xf32, #tpu.memory_space<vmem>>, vector<1x16xf32>,
      %add3A_385 = arith.constant 1 : i32
      %add3A_386 = arith.addi %mul3A_318, %add3A_385 : i32
      %get3A_387 = arith.constant 0 : i32
      %get3A_388 = arith.index_cast %get3A_387 : i32 to index
      %get3A_389 = arith.index_cast %add3A_386 : i32 to index
      %get3A_390 = arith.constant 0 : index
      %get3A_391 = tpu.vector_load %arg6[%get3A_388, %get3A_389, %get3A_390] {strides = array<i32>} : memref<2x128x128xf32, #tpu.memory_space<vmem>>, vector<1x1x16xf32>,
      %get3A_392 = vector.shape_cast %get3A_391 : vector<1x1x16xf32> to vector<16xf32>
      %add3A_393 = arith.constant 256 : i32
      %add3A_394 = arith.addi %add3A_393, %mul3A_318 : i32
      %add3A_395 = arith.constant 1 : i32
      %add3A_396 = arith.addi %add3A_394, %add3A_395 : i32
      %swap3A_397 = arith.index_cast %add3A_396 : i32 to index
      %swap3A_398 = arith.constant 0 : index
      %swap3A_399 = tpu.vector_load %arg7[%swap3A_397, %swap3A_398] {strides = array<i32>} : memref<512x64xf32, #tpu.memory_space<vmem>>, vector<1x16xf32>,
      %swap3A_400 = vector.shape_cast %swap3A_399 : vector<1x16xf32> to vector<16xf32>
      %swap3A_401 = vector.shape_cast %get3A_392 : vector<16xf32> to vector<1x16xf32>
      tpu.vector_store %arg7[%swap3A_397, %swap3A_398], %swap3A_401 {strides = array<i32>} : memref<512x64xf32, #tpu.memory_space<vmem>>, vector<1x16xf32>,
      %add3A_402 = arith.constant 1 : i32
      %add3A_403 = arith.addi %mul3A_318, %add3A_402 : i32
      %get3A_404 = arith.constant 0 : i32
      %get3A_405 = arith.index_cast %get3A_404 : i32 to index
      %get3A_406 = arith.index_cast %add3A_403 : i32 to index
      %get3A_407 = arith.constant 16 : index
      %get3A_408 = tpu.vector_load %arg6[%get3A_405, %get3A_406, %get3A_407] {strides = array<i32>} : memref<2x128x128xf32, #tpu.memory_space<vmem>>, vector<1x1x16xf32>,
      %get3A_409 = vector.shape_cast %get3A_408 : vector<1x1x16xf32> to vector<16xf32>
      %add3A_410 = arith.constant 256 : i32
      %add3A_411 = arith.addi %add3A_410, %mul3A_318 : i32
      %add3A_412 = arith.constant 1 : i32
      %add3A_413 = arith.addi %add3A_411, %add3A_412 : i32
      %swap3A_414 = arith.index_cast %add3A_413 : i32 to index
      %swap3A_415 = arith.constant 16 : index
      %swap3A_416 = tpu.vector_load %arg7[%swap3A_414, %swap3A_415] {strides = array<i32>} : memref<512x64xf32, #tpu.memory_space<vmem>>, vector<1x16xf32>,
      %swap3A_417 = vector.shape_cast %swap3A_416 : vector<1x16xf32> to vector<16xf32>
      %swap3A_418 = vector.shape_cast %get3A_409 : vector<16xf32> to vector<1x16xf32>
      tpu.vector_store %arg7[%swap3A_414, %swap3A_415], %swap3A_418 {strides = array<i32>} : memref<512x64xf32, #tpu.memory_space<vmem>>, vector<1x16xf32>,
      %add3A_419 = arith.constant 1 : i32
      %add3A_420 = arith.addi %mul3A_318, %add3A_419 : i32
      %get3A_421 = arith.constant 0 : i32
      %get3A_422 = arith.index_cast %get3A_421 : i32 to index
      %get3A_423 = arith.index_cast %add3A_420 : i32 to index
      %get3A_424 = arith.constant 32 : index
      %get3A_425 = tpu.vector_load %arg6[%get3A_422, %get3A_423, %get3A_424] {strides = array<i32>} : memref<2x128x128xf32, #tpu.memory_space<vmem>>, vector<1x1x16xf32>,
      %get3A_426 = vector.shape_cast %get3A_425 : vector<1x1x16xf32> to vector<16xf32>
      %add3A_427 = arith.constant 256 : i32
      %add3A_428 = arith.addi %add3A_427, %mul3A_318 : i32
      %add3A_429 = arith.constant 1 : i32
      %add3A_430 = arith.addi %add3A_428, %add3A_429 : i32
      %swap3A_431 = arith.index_cast %add3A_430 : i32 to index
      %swap3A_432 = arith.constant 32 : index
      %swap3A_433 = tpu.vector_load %arg7[%swap3A_431, %swap3A_432] {strides = array<i32>} : memref<512x64xf32, #tpu.memory_space<vmem>>, vector<1x16xf32>,
      %swap3A_434 = vector.shape_cast %swap3A_433 : vector<1x16xf32> to vector<16xf32>
      %swap3A_435 = vector.shape_cast %get3A_426 : vector<16xf32> to vector<1x16xf32>
      tpu.vector_store %arg7[%swap3A_431, %swap3A_432], %swap3A_435 {strides = array<i32>} : memref<512x64xf32, #tpu.memory_space<vmem>>, vector<1x16xf32>,
      %add3A_436 = arith.constant 1 : i32
      %add3A_437 = arith.addi %mul3A_318, %add3A_436 : i32
      %get3A_438 = arith.constant 0 : i32
      %get3A_439 = arith.index_cast %get3A_438 : i32 to index
      %get3A_440 = arith.index_cast %add3A_437 : i32 to index
      %get3A_441 = arith.constant 48 : index
      %get3A_442 = tpu.vector_load %arg6[%get3A_439, %get3A_440, %get3A_441] {strides = array<i32>} : memref<2x128x128xf32, #tpu.memory_space<vmem>>, vector<1x1x16xf32>,
      %get3A_443 = vector.shape_cast %get3A_442 : vector<1x1x16xf32> to vector<16xf32>
      %add3A_444 = arith.constant 256 : i32
      %add3A_445 = arith.addi %add3A_444, %mul3A_318 : i32
      %add3A_446 = arith.constant 1 : i32
      %add3A_447 = arith.addi %add3A_445, %add3A_446 : i32
      %swap3A_448 = arith.index_cast %add3A_447 : i32 to index
      %swap3A_449 = arith.constant 48 : index
      %swap3A_450 = tpu.vector_load %arg7[%swap3A_448, %swap3A_449] {strides = array<i32>} : memref<512x64xf32, #tpu.memory_space<vmem>>, vector<1x16xf32>,
      %swap3A_451 = vector.shape_cast %swap3A_450 : vector<1x16xf32> to vector<16xf32>
      %swap3A_452 = vector.shape_cast %get3A_443 : vector<16xf32> to vector<1x16xf32>
      tpu.vector_store %arg7[%swap3A_448, %swap3A_449], %swap3A_452 {strides = array<i32>} : memref<512x64xf32, #tpu.memory_space<vmem>>, vector<1x16xf32>,
      %add3A_453 = arith.constant 2 : i32
      %add3A_454 = arith.addi %mul3A_318, %add3A_453 : i32
      %get3A_455 = arith.constant 0 : i32
      %get3A_456 = arith.index_cast %get3A_455 : i32 to index
      %get3A_457 = arith.index_cast %add3A_454 : i32 to index
      %get3A_458 = arith.constant 0 : index
      %get3A_459 = tpu.vector_load %arg6[%get3A_456, %get3A_457, %get3A_458] {strides = array<i32>} : memref<2x128x128xf32, #tpu.memory_space<vmem>>, vector<1x1x16xf32>,
      %get3A_460 = vector.shape_cast %get3A_459 : vector<1x1x16xf32> to vector<16xf32>
      %add3A_461 = arith.constant 256 : i32
      %add3A_462 = arith.addi %add3A_461, %mul3A_318 : i32
      %add3A_463 = arith.constant 2 : i32
      %add3A_464 = arith.addi %add3A_462, %add3A_463 : i32
      %swap3A_465 = arith.index_cast %add3A_464 : i32 to index
      %swap3A_466 = arith.constant 0 : index
      %swap3A_467 = tpu.vector_load %arg7[%swap3A_465, %swap3A_466] {strides = array<i32>} : memref<512x64xf32, #tpu.memory_space<vmem>>, vector<1x16xf32>,
      %swap3A_468 = vector.shape_cast %swap3A_467 : vector<1x16xf32> to vector<16xf32>
      %swap3A_469 = vector.shape_cast %get3A_460 : vector<16xf32> to vector<1x16xf32>
      tpu.vector_store %arg7[%swap3A_465, %swap3A_466], %swap3A_469 {strides = array<i32>} : memref<512x64xf32, #tpu.memory_space<vmem>>, vector<1x16xf32>,
      %add3A_470 = arith.constant 2 : i32
      %add3A_471 = arith.addi %mul3A_318, %add3A_470 : i32
      %get3A_472 = arith.constant 0 : i32
      %get3A_473 = arith.index_cast %get3A_472 : i32 to index
      %get3A_474 = arith.index_cast %add3A_471 : i32 to index
      %get3A_475 = arith.constant 16 : index
      %get3A_476 = tpu.vector_load %arg6[%get3A_473, %get3A_474, %get3A_475] {strides = array<i32>} : memref<2x128x128xf32, #tpu.memory_space<vmem>>, vector<1x1x16xf32>,
      %get3A_477 = vector.shape_cast %get3A_476 : vector<1x1x16xf32> to vector<16xf32>
      %add3A_478 = arith.constant 256 : i32
      %add3A_479 = arith.addi %add3A_478, %mul3A_318 : i32
      %add3A_480 = arith.constant 2 : i32
      %add3A_481 = arith.addi %add3A_479, %add3A_480 : i32
      %swap3A_482 = arith.index_cast %add3A_481 : i32 to index
      %swap3A_483 = arith.constant 16 : index
      %swap3A_484 = tpu.vector_load %arg7[%swap3A_482, %swap3A_483] {strides = array<i32>} : memref<512x64xf32, #tpu.memory_space<vmem>>, vector<1x16xf32>,
      %swap3A_485 = vector.shape_cast %swap3A_484 : vector<1x16xf32> to vector<16xf32>
      %swap3A_486 = vector.shape_cast %get3A_477 : vector<16xf32> to vector<1x16xf32>
      tpu.vector_store %arg7[%swap3A_482, %swap3A_483], %swap3A_486 {strides = array<i32>} : memref<512x64xf32, #tpu.memory_space<vmem>>, vector<1x16xf32>,
      %add3A_487 = arith.constant 2 : i32
      %add3A_488 = arith.addi %mul3A_318, %add3A_487 : i32
      %get3A_489 = arith.constant 0 : i32
      %get3A_490 = arith.index_cast %get3A_489 : i32 to index
      %get3A_491 = arith.index_cast %add3A_488 : i32 to index
      %get3A_492 = arith.constant 32 : index
      %get3A_493 = tpu.vector_load %arg6[%get3A_490, %get3A_491, %get3A_492] {strides = array<i32>} : memref<2x128x128xf32, #tpu.memory_space<vmem>>, vector<1x1x16xf32>,
      %get3A_494 = vector.shape_cast %get3A_493 : vector<1x1x16xf32> to vector<16xf32>
      %add3A_495 = arith.constant 256 : i32
      %add3A_496 = arith.addi %add3A_495, %mul3A_318 : i32
      %add3A_497 = arith.constant 2 : i32
      %add3A_498 = arith.addi %add3A_496, %add3A_497 : i32
      %swap3A_499 = arith.index_cast %add3A_498 : i32 to index
      %swap3A_500 = arith.constant 32 : index
      %swap3A_501 = tpu.vector_load %arg7[%swap3A_499, %swap3A_500] {strides = array<i32>} : memref<512x64xf32, #tpu.memory_space<vmem>>, vector<1x16xf32>,
      %swap3A_502 = vector.shape_cast %swap3A_501 : vector<1x16xf32> to vector<16xf32>
      %swap3A_503 = vector.shape_cast %get3A_494 : vector<16xf32> to vector<1x16xf32>
      tpu.vector_store %arg7[%swap3A_499, %swap3A_500], %swap3A_503 {strides = array<i32>} : memref<512x64xf32, #tpu.memory_space<vmem>>, vector<1x16xf32>,
      %add3A_504 = arith.constant 2 : i32
      %add3A_505 = arith.addi %mul3A_318, %add3A_504 : i32
      %get3A_506 = arith.constant 0 : i32
      %get3A_507 = arith.index_cast %get3A_506 : i32 to index
      %get3A_508 = arith.index_cast %add3A_505 : i32 to index
      %get3A_509 = arith.constant 48 : index
      %get3A_510 = tpu.vector_load %arg6[%get3A_507, %get3A_508, %get3A_509] {strides = array<i32>} : memref<2x128x128xf32, #tpu.memory_space<vmem>>, vector<1x1x16xf32>,
      %get3A_511 = vector.shape_cast %get3A_510 : vector<1x1x16xf32> to vector<16xf32>
      %add3A_512 = arith.constant 256 : i32
      %add3A_513 = arith.addi %add3A_512, %mul3A_318 : i32
      %add3A_514 = arith.constant 2 : i32
      %add3A_515 = arith.addi %add3A_513, %add3A_514 : i32
      %swap3A_516 = arith.index_cast %add3A_515 : i32 to index
      %swap3A_517 = arith.constant 48 : index
      %swap3A_518 = tpu.vector_load %arg7[%swap3A_516, %swap3A_517] {strides = array<i32>} : memref<512x64xf32, #tpu.memory_space<vmem>>, vector<1x16xf32>,
      %swap3A_519 = vector.shape_cast %swap3A_518 : vector<1x16xf32> to vector<16xf32>
      %swap3A_520 = vector.shape_cast %get3A_511 : vector<16xf32> to vector<1x16xf32>
      tpu.vector_store %arg7[%swap3A_516, %swap3A_517], %swap3A_520 {strides = array<i32>} : memref<512x64xf32, #tpu.memory_space<vmem>>, vector<1x16xf32>,
      %add3A_521 = arith.constant 3 : i32
      %add3A_522 = arith.addi %mul3A_318, %add3A_521 : i32
      %get3A_523 = arith.constant 0 : i32
      %get3A_524 = arith.index_cast %get3A_523 : i32 to index
      %get3A_525 = arith.index_cast %add3A_522 : i32 to index
      %get3A_526 = arith.constant 0 : index
      %get3A_527 = tpu.vector_load %arg6[%get3A_524, %get3A_525, %get3A_526] {strides = array<i32>} : memref<2x128x128xf32, #tpu.memory_space<vmem>>, vector<1x1x16xf32>,
      %get3A_528 = vector.shape_cast %get3A_527 : vector<1x1x16xf32> to vector<16xf32>
      %add3A_529 = arith.constant 256 : i32
      %add3A_530 = arith.addi %add3A_529, %mul3A_318 : i32
      %add3A_531 = arith.constant 3 : i32
      %add3A_532 = arith.addi %add3A_530, %add3A_531 : i32
      %swap3A_533 = arith.index_cast %add3A_532 : i32 to index
      %swap3A_534 = arith.constant 0 : index
      %swap3A_535 = tpu.vector_load %arg7[%swap3A_533, %swap3A_534] {strides = array<i32>} : memref<512x64xf32, #tpu.memory_space<vmem>>, vector<1x16xf32>,
      %swap3A_536 = vector.shape_cast %swap3A_535 : vector<1x16xf32> to vector<16xf32>
      %swap3A_537 = vector.shape_cast %get3A_528 : vector<16xf32> to vector<1x16xf32>
      tpu.vector_store %arg7[%swap3A_533, %swap3A_534], %swap3A_537 {strides = array<i32>} : memref<512x64xf32, #tpu.memory_space<vmem>>, vector<1x16xf32>,
      %add3A_538 = arith.constant 3 : i32
      %add3A_539 = arith.addi %mul3A_318, %add3A_538 : i32
      %get3A_540 = arith.constant 0 : i32
      %get3A_541 = arith.index_cast %get3A_540 : i32 to index
      %get3A_542 = arith.index_cast %add3A_539 : i32 to index
      %get3A_543 = arith.constant 16 : index
      %get3A_544 = tpu.vector_load %arg6[%get3A_541, %get3A_542, %get3A_543] {strides = array<i32>} : memref<2x128x128xf32, #tpu.memory_space<vmem>>, vector<1x1x16xf32>,
      %get3A_545 = vector.shape_cast %get3A_544 : vector<1x1x16xf32> to vector<16xf32>
      %add3A_546 = arith.constant 256 : i32
      %add3A_547 = arith.addi %add3A_546, %mul3A_318 : i32
      %add3A_548 = arith.constant 3 : i32
      %add3A_549 = arith.addi %add3A_547, %add3A_548 : i32
      %swap3A_550 = arith.index_cast %add3A_549 : i32 to index
      %swap3A_551 = arith.constant 16 : index
      %swap3A_552 = tpu.vector_load %arg7[%swap3A_550, %swap3A_551] {strides = array<i32>} : memref<512x64xf32, #tpu.memory_space<vmem>>, vector<1x16xf32>,
      %swap3A_553 = vector.shape_cast %swap3A_552 : vector<1x16xf32> to vector<16xf32>
      %swap3A_554 = vector.shape_cast %get3A_545 : vector<16xf32> to vector<1x16xf32>
      tpu.vector_store %arg7[%swap3A_550, %swap3A_551], %swap3A_554 {strides = array<i32>} : memref<512x64xf32, #tpu.memory_space<vmem>>, vector<1x16xf32>,
      %add3A_555 = arith.constant 3 : i32
      %add3A_556 = arith.addi %mul3A_318, %add3A_555 : i32
      %get3A_557 = arith.constant 0 : i32
      %get3A_558 = arith.index_cast %get3A_557 : i32 to index
      %get3A_559 = arith.index_cast %add3A_556 : i32 to index
      %get3A_560 = arith.constant 32 : index
      %get3A_561 = tpu.vector_load %arg6[%get3A_558, %get3A_559, %get3A_560] {strides = array<i32>} : memref<2x128x128xf32, #tpu.memory_space<vmem>>, vector<1x1x16xf32>,
      %get3A_562 = vector.shape_cast %get3A_561 : vector<1x1x16xf32> to vector<16xf32>
      %add3A_563 = arith.constant 256 : i32
      %add3A_564 = arith.addi %add3A_563, %mul3A_318 : i32
      %add3A_565 = arith.constant 3 : i32
      %add3A_566 = arith.addi %add3A_564, %add3A_565 : i32
      %swap3A_567 = arith.index_cast %add3A_566 : i32 to index
      %swap3A_568 = arith.constant 32 : index
      %swap3A_569 = tpu.vector_load %arg7[%swap3A_567, %swap3A_568] {strides = array<i32>} : memref<512x64xf32, #tpu.memory_space<vmem>>, vector<1x16xf32>,
      %swap3A_570 = vector.shape_cast %swap3A_569 : vector<1x16xf32> to vector<16xf32>
      %swap3A_571 = vector.shape_cast %get3A_562 : vector<16xf32> to vector<1x16xf32>
      tpu.vector_store %arg7[%swap3A_567, %swap3A_568], %swap3A_571 {strides = array<i32>} : memref<512x64xf32, #tpu.memory_space<vmem>>, vector<1x16xf32>,
      %add3A_572 = arith.constant 3 : i32
      %add3A_573 = arith.addi %mul3A_318, %add3A_572 : i32
      %get3A_574 = arith.constant 0 : i32
      %get3A_575 = arith.index_cast %get3A_574 : i32 to index
      %get3A_576 = arith.index_cast %add3A_573 : i32 to index
      %get3A_577 = arith.constant 48 : index
      %get3A_578 = tpu.vector_load %arg6[%get3A_575, %get3A_576, %get3A_577] {strides = array<i32>} : memref<2x128x128xf32, #tpu.memory_space<vmem>>, vector<1x1x16xf32>,
      %get3A_579 = vector.shape_cast %get3A_578 : vector<1x1x16xf32> to vector<16xf32>
      %add3A_580 = arith.constant 256 : i32
      %add3A_581 = arith.addi %add3A_580, %mul3A_318 : i32
      %add3A_582 = arith.constant 3 : i32
      %add3A_583 = arith.addi %add3A_581, %add3A_582 : i32
      %swap3A_584 = arith.index_cast %add3A_583 : i32 to index
      %swap3A_585 = arith.constant 48 : index
      %swap3A_586 = tpu.vector_load %arg7[%swap3A_584, %swap3A_585] {strides = array<i32>} : memref<512x64xf32, #tpu.memory_space<vmem>>, vector<1x16xf32>,
      %swap3A_587 = vector.shape_cast %swap3A_586 : vector<1x16xf32> to vector<16xf32>
      %swap3A_588 = vector.shape_cast %get3A_579 : vector<16xf32> to vector<1x16xf32>
      tpu.vector_store %arg7[%swap3A_584, %swap3A_585], %swap3A_588 {strides = array<i32>} : memref<512x64xf32, #tpu.memory_space<vmem>>, vector<1x16xf32>,
    }
    %scan3A_194 = arith.constant 32 : i32
    %add3A_195 = arith.constant 256 : i32
    %add3A_196 = arith.addi %mul3A_32, %add3A_195 : i32
    %dma_start3A_197 = arith.constant 2 : i32
    %dma_start3A_198 = arith.constant 256 : i32
    %dma_start3A_199 = arith.constant 0 : i32
    %dma_start3A_200 = tpu.memref_slice %arg7[%dma_start3A_198, %dma_start3A_199] : memref<512x64xf32, #tpu.memory_space<vmem>> -> memref<128x64xf32, #tpu.memory_space<vmem>>
    %dma_start3A_201 = arith.constant 0 : i32
    %dma_start3A_202 = tpu.memref_slice %arg4[%select_n3A, %add3A_196, %dma_start3A_201] : memref<16x1024x64xf32, #tpu.memory_space<hbm>> -> memref<1x128x64xf32, #tpu.memory_space<hbm>>
    %dma_start3A_203 = tpu.memref_squeeze %dma_start3A_202 : memref<1x128x64xf32, #tpu.memory_space<hbm>> -> memref<128x64xf32, #tpu.memory_space<hbm>>
    %dma_start3A_204 = tpu.memref_slice %arg10[%dma_start3A_197] : memref<4x!tpu.dma_semaphore, #tpu.memory_space<semaphore_mem>> -> memref<1x!tpu.dma_semaphore, #tpu.memory_space<semaphore_mem>>
    %dma_start3A_205 = tpu.memref_squeeze %dma_start3A_204 : memref<1x!tpu.dma_semaphore, #tpu.memory_space<semaphore_mem>> -> memref<!tpu.dma_semaphore, #tpu.memory_space<semaphore_mem>>
    %dma_start3A_206 = arith.constant 0 : i32
    %dma_start3A_207 = tpu.memref_slice %arg4[%select_n3A, %add3A_196, %dma_start3A_206] : memref<16x1024x64xf32, #tpu.memory_space<hbm>> -> memref<1x128x64xf32, #tpu.memory_space<hbm>>
    %dma_start3A_208 = tpu.memref_squeeze %dma_start3A_207 : memref<1x128x64xf32, #tpu.memory_space<hbm>> -> memref<128x64xf32, #tpu.memory_space<hbm>>
    %dma_start3A_209 = arith.constant 256 : i32
    %dma_start3A_210 = arith.constant 0 : i32
    %dma_start3A_211 = tpu.memref_slice %arg7[%dma_start3A_209, %dma_start3A_210] : memref<512x64xf32, #tpu.memory_space<vmem>> -> memref<128x64xf32, #tpu.memory_space<vmem>>
    tpu.enqueue_dma source(%dma_start3A_211 : memref<128x64xf32, #tpu.memory_space<vmem>>) target(%dma_start3A_208 : memref<128x64xf32, #tpu.memory_space<hbm>>) target_semaphore(%dma_start3A_205 : memref<!tpu.dma_semaphore, #tpu.memory_space<semaphore_mem>>)
    %dma_wait3A_212 = arith.constant 1 : i32
    %dma_wait3A_213 = arith.constant 3 : i32
    %dma_wait3A_214 = arith.constant 0 : i32
    %dma_wait3A_215 = arith.constant 0 : i32
    %dma_wait3A_216 = tpu.memref_slice %arg6[%dma_wait3A_212, %dma_wait3A_214, %dma_wait3A_215] : memref<2x128x128xf32, #tpu.memory_space<vmem>> -> memref<1x128x128xf32, #tpu.memory_space<vmem>>
    %dma_wait3A_217 = tpu.memref_squeeze %dma_wait3A_216 : memref<1x128x128xf32, #tpu.memory_space<vmem>> -> memref<128x128xf32, #tpu.memory_space<vmem>>
    %dma_wait3A_218 = arith.constant 384 : i32
    %dma_wait3A_219 = tpu.memref_slice %arg5[%dma_wait3A_218] : memref<512xi32, #tpu.memory_space<vmem>> -> memref<128xi32, #tpu.memory_space<vmem>>
    %dma_wait3A_220 = arith.constant 0 : i32
    %dma_wait3A_221 = arith.constant 0 : i32
    %dma_wait3A_222 = tpu.memref_slice %arg8[%dma_wait3A_220, %dma_wait3A_221] : memref<512x128xf32, #tpu.memory_space<vmem_shared>> -> memref<512x128xf32, #tpu.memory_space<vmem_shared>>
    %dma_wait3A_223 = tpu.memref_slice %arg9[%dma_wait3A_213] : memref<4x!tpu.dma_semaphore, #tpu.memory_space<semaphore_mem>> -> memref<1x!tpu.dma_semaphore, #tpu.memory_space<semaphore_mem>>
    %dma_wait3A_224 = tpu.memref_squeeze %dma_wait3A_223 : memref<1x!tpu.dma_semaphore, #tpu.memory_space<semaphore_mem>> -> memref<!tpu.dma_semaphore, #tpu.memory_space<semaphore_mem>>
    tpu.wait_indirect_dma semaphore(%dma_wait3A_224 : memref<!tpu.dma_semaphore, #tpu.memory_space<semaphore_mem>>) src(%dma_wait3A_222 : memref<512x128xf32, #tpu.memory_space<vmem_shared>>) dst(%dma_wait3A_217 : memref<128x128xf32, #tpu.memory_space<vmem>>)
    %scan3A_225 = arith.constant 0 : i32
    %scan3A_226 = arith.constant 0 : i32
    %scan3A_227 = arith.constant 32 : i32
    %scan3A_228 = arith.addi %scan3A_226, %scan3A_227 : i32
    %scan3A_229 = arith.constant 1 : i32
    scf.for %scan3A_316 = %scan3A_226 to %scan3A_228 step %scan3A_229  : i32 {
      %mul3A_317 = arith.constant 4 : i32
      %mul3A_318 = arith.muli %scan3A_316, %mul3A_317 : i32
      %add3A_319 = arith.constant 0 : i32
      %add3A_320 = arith.addi %mul3A_318, %add3A_319 : i32
      %get3A = arith.constant 1 : i32
      %get3A_321 = arith.index_cast %get3A : i32 to index
      %get3A_322 = arith.index_cast %add3A_320 : i32 to index
      %get3A_323 = arith.constant 0 : index
      %get3A_324 = tpu.vector_load %arg6[%get3A_321, %get3A_322, %get3A_323] {strides = array<i32>} : memref<2x128x128xf32, #tpu.memory_space<vmem>>, vector<1x1x16xf32>,
      %get3A_325 = vector.shape_cast %get3A_324 : vector<1x1x16xf32> to vector<16xf32>
      %add3A_326 = arith.constant 384 : i32
      %add3A_327 = arith.addi %add3A_326, %mul3A_318 : i32
      %add3A_328 = arith.constant 0 : i32
      %add3A_329 = arith.addi %add3A_327, %add3A_328 : i32
      %swap3A = arith.index_cast %add3A_329 : i32 to index
      %swap3A_330 = arith.constant 0 : index
      %swap3A_331 = tpu.vector_load %arg7[%swap3A, %swap3A_330] {strides = array<i32>} : memref<512x64xf32, #tpu.memory_space<vmem>>, vector<1x16xf32>,
      %swap3A_332 = vector.shape_cast %swap3A_331 : vector<1x16xf32> to vector<16xf32>
      %swap3A_333 = vector.shape_cast %get3A_325 : vector<16xf32> to vector<1x16xf32>
      tpu.vector_store %arg7[%swap3A, %swap3A_330], %swap3A_333 {strides = array<i32>} : memref<512x64xf32, #tpu.memory_space<vmem>>, vector<1x16xf32>,
      %add3A_334 = arith.constant 0 : i32
      %add3A_335 = arith.addi %mul3A_318, %add3A_334 : i32
      %get3A_336 = arith.constant 1 : i32
      %get3A_337 = arith.index_cast %get3A_336 : i32 to index
      %get3A_338 = arith.index_cast %add3A_335 : i32 to index
      %get3A_339 = arith.constant 16 : index
      %get3A_340 = tpu.vector_load %arg6[%get3A_337, %get3A_338, %get3A_339] {strides = array<i32>} : memref<2x128x128xf32, #tpu.memory_space<vmem>>, vector<1x1x16xf32>,
      %get3A_341 = vector.shape_cast %get3A_340 : vector<1x1x16xf32> to vector<16xf32>
      %add3A_342 = arith.constant 384 : i32
      %add3A_343 = arith.addi %add3A_342, %mul3A_318 : i32
      %add3A_344 = arith.constant 0 : i32
      %add3A_345 = arith.addi %add3A_343, %add3A_344 : i32
      %swap3A_346 = arith.index_cast %add3A_345 : i32 to index
      %swap3A_347 = arith.constant 16 : index
      %swap3A_348 = tpu.vector_load %arg7[%swap3A_346, %swap3A_347] {strides = array<i32>} : memref<512x64xf32, #tpu.memory_space<vmem>>, vector<1x16xf32>,
      %swap3A_349 = vector.shape_cast %swap3A_348 : vector<1x16xf32> to vector<16xf32>
      %swap3A_350 = vector.shape_cast %get3A_341 : vector<16xf32> to vector<1x16xf32>
      tpu.vector_store %arg7[%swap3A_346, %swap3A_347], %swap3A_350 {strides = array<i32>} : memref<512x64xf32, #tpu.memory_space<vmem>>, vector<1x16xf32>,
      %add3A_351 = arith.constant 0 : i32
      %add3A_352 = arith.addi %mul3A_318, %add3A_351 : i32
      %get3A_353 = arith.constant 1 : i32
      %get3A_354 = arith.index_cast %get3A_353 : i32 to index
      %get3A_355 = arith.index_cast %add3A_352 : i32 to index
      %get3A_356 = arith.constant 32 : index
      %get3A_357 = tpu.vector_load %arg6[%get3A_354, %get3A_355, %get3A_356] {strides = array<i32>} : memref<2x128x128xf32, #tpu.memory_space<vmem>>, vector<1x1x16xf32>,
      %get3A_358 = vector.shape_cast %get3A_357 : vector<1x1x16xf32> to vector<16xf32>
      %add3A_359 = arith.constant 384 : i32
      %add3A_360 = arith.addi %add3A_359, %mul3A_318 : i32
      %add3A_361 = arith.constant 0 : i32
      %add3A_362 = arith.addi %add3A_360, %add3A_361 : i32
      %swap3A_363 = arith.index_cast %add3A_362 : i32 to index
      %swap3A_364 = arith.constant 32 : index
      %swap3A_365 = tpu.vector_load %arg7[%swap3A_363, %swap3A_364] {strides = array<i32>} : memref<512x64xf32, #tpu.memory_space<vmem>>, vector<1x16xf32>,
      %swap3A_366 = vector.shape_cast %swap3A_365 : vector<1x16xf32> to vector<16xf32>
      %swap3A_367 = vector.shape_cast %get3A_358 : vector<16xf32> to vector<1x16xf32>
      tpu.vector_store %arg7[%swap3A_363, %swap3A_364], %swap3A_367 {strides = array<i32>} : memref<512x64xf32, #tpu.memory_space<vmem>>, vector<1x16xf32>,
      %add3A_368 = arith.constant 0 : i32
      %add3A_369 = arith.addi %mul3A_318, %add3A_368 : i32
      %get3A_370 = arith.constant 1 : i32
      %get3A_371 = arith.index_cast %get3A_370 : i32 to index
      %get3A_372 = arith.index_cast %add3A_369 : i32 to index
      %get3A_373 = arith.constant 48 : index
      %get3A_374 = tpu.vector_load %arg6[%get3A_371, %get3A_372, %get3A_373] {strides = array<i32>} : memref<2x128x128xf32, #tpu.memory_space<vmem>>, vector<1x1x16xf32>,
      %get3A_375 = vector.shape_cast %get3A_374 : vector<1x1x16xf32> to vector<16xf32>
      %add3A_376 = arith.constant 384 : i32
      %add3A_377 = arith.addi %add3A_376, %mul3A_318 : i32
      %add3A_378 = arith.constant 0 : i32
      %add3A_379 = arith.addi %add3A_377, %add3A_378 : i32
      %swap3A_380 = arith.index_cast %add3A_379 : i32 to index
      %swap3A_381 = arith.constant 48 : index
      %swap3A_382 = tpu.vector_load %arg7[%swap3A_380, %swap3A_381] {strides = array<i32>} : memref<512x64xf32, #tpu.memory_space<vmem>>, vector<1x16xf32>,
      %swap3A_383 = vector.shape_cast %swap3A_382 : vector<1x16xf32> to vector<16xf32>
      %swap3A_384 = vector.shape_cast %get3A_375 : vector<16xf32> to vector<1x16xf32>
      tpu.vector_store %arg7[%swap3A_380, %swap3A_381], %swap3A_384 {strides = array<i32>} : memref<512x64xf32, #tpu.memory_space<vmem>>, vector<1x16xf32>,
      %add3A_385 = arith.constant 1 : i32
      %add3A_386 = arith.addi %mul3A_318, %add3A_385 : i32
      %get3A_387 = arith.constant 1 : i32
      %get3A_388 = arith.index_cast %get3A_387 : i32 to index
      %get3A_389 = arith.index_cast %add3A_386 : i32 to index
      %get3A_390 = arith.constant 0 : index
      %get3A_391 = tpu.vector_load %arg6[%get3A_388, %get3A_389, %get3A_390] {strides = array<i32>} : memref<2x128x128xf32, #tpu.memory_space<vmem>>, vector<1x1x16xf32>,
      %get3A_392 = vector.shape_cast %get3A_391 : vector<1x1x16xf32> to vector<16xf32>
      %add3A_393 = arith.constant 384 : i32
      %add3A_394 = arith.addi %add3A_393, %mul3A_318 : i32
      %add3A_395 = arith.constant 1 : i32
      %add3A_396 = arith.addi %add3A_394, %add3A_395 : i32
      %swap3A_397 = arith.index_cast %add3A_396 : i32 to index
      %swap3A_398 = arith.constant 0 : index
      %swap3A_399 = tpu.vector_load %arg7[%swap3A_397, %swap3A_398] {strides = array<i32>} : memref<512x64xf32, #tpu.memory_space<vmem>>, vector<1x16xf32>,
      %swap3A_400 = vector.shape_cast %swap3A_399 : vector<1x16xf32> to vector<16xf32>
      %swap3A_401 = vector.shape_cast %get3A_392 : vector<16xf32> to vector<1x16xf32>
      tpu.vector_store %arg7[%swap3A_397, %swap3A_398], %swap3A_401 {strides = array<i32>} : memref<512x64xf32, #tpu.memory_space<vmem>>, vector<1x16xf32>,
      %add3A_402 = arith.constant 1 : i32
      %add3A_403 = arith.addi %mul3A_318, %add3A_402 : i32
      %get3A_404 = arith.constant 1 : i32
      %get3A_405 = arith.index_cast %get3A_404 : i32 to index
      %get3A_406 = arith.index_cast %add3A_403 : i32 to index
      %get3A_407 = arith.constant 16 : index
      %get3A_408 = tpu.vector_load %arg6[%get3A_405, %get3A_406, %get3A_407] {strides = array<i32>} : memref<2x128x128xf32, #tpu.memory_space<vmem>>, vector<1x1x16xf32>,
      %get3A_409 = vector.shape_cast %get3A_408 : vector<1x1x16xf32> to vector<16xf32>
      %add3A_410 = arith.constant 384 : i32
      %add3A_411 = arith.addi %add3A_410, %mul3A_318 : i32
      %add3A_412 = arith.constant 1 : i32
      %add3A_413 = arith.addi %add3A_411, %add3A_412 : i32
      %swap3A_414 = arith.index_cast %add3A_413 : i32 to index
      %swap3A_415 = arith.constant 16 : index
      %swap3A_416 = tpu.vector_load %arg7[%swap3A_414, %swap3A_415] {strides = array<i32>} : memref<512x64xf32, #tpu.memory_space<vmem>>, vector<1x16xf32>,
      %swap3A_417 = vector.shape_cast %swap3A_416 : vector<1x16xf32> to vector<16xf32>
      %swap3A_418 = vector.shape_cast %get3A_409 : vector<16xf32> to vector<1x16xf32>
      tpu.vector_store %arg7[%swap3A_414, %swap3A_415], %swap3A_418 {strides = array<i32>} : memref<512x64xf32, #tpu.memory_space<vmem>>, vector<1x16xf32>,
      %add3A_419 = arith.constant 1 : i32
      %add3A_420 = arith.addi %mul3A_318, %add3A_419 : i32
      %get3A_421 = arith.constant 1 : i32
      %get3A_422 = arith.index_cast %get3A_421 : i32 to index
      %get3A_423 = arith.index_cast %add3A_420 : i32 to index
      %get3A_424 = arith.constant 32 : index
      %get3A_425 = tpu.vector_load %arg6[%get3A_422, %get3A_423, %get3A_424] {strides = array<i32>} : memref<2x128x128xf32, #tpu.memory_space<vmem>>, vector<1x1x16xf32>,
      %get3A_426 = vector.shape_cast %get3A_425 : vector<1x1x16xf32> to vector<16xf32>
      %add3A_427 = arith.constant 384 : i32
      %add3A_428 = arith.addi %add3A_427, %mul3A_318 : i32
      %add3A_429 = arith.constant 1 : i32
      %add3A_430 = arith.addi %add3A_428, %add3A_429 : i32
      %swap3A_431 = arith.index_cast %add3A_430 : i32 to index
      %swap3A_432 = arith.constant 32 : index
      %swap3A_433 = tpu.vector_load %arg7[%swap3A_431, %swap3A_432] {strides = array<i32>} : memref<512x64xf32, #tpu.memory_space<vmem>>, vector<1x16xf32>,
      %swap3A_434 = vector.shape_cast %swap3A_433 : vector<1x16xf32> to vector<16xf32>
      %swap3A_435 = vector.shape_cast %get3A_426 : vector<16xf32> to vector<1x16xf32>
      tpu.vector_store %arg7[%swap3A_431, %swap3A_432], %swap3A_435 {strides = array<i32>} : memref<512x64xf32, #tpu.memory_space<vmem>>, vector<1x16xf32>,
      %add3A_436 = arith.constant 1 : i32
      %add3A_437 = arith.addi %mul3A_318, %add3A_436 : i32
      %get3A_438 = arith.constant 1 : i32
      %get3A_439 = arith.index_cast %get3A_438 : i32 to index
      %get3A_440 = arith.index_cast %add3A_437 : i32 to index
      %get3A_441 = arith.constant 48 : index
      %get3A_442 = tpu.vector_load %arg6[%get3A_439, %get3A_440, %get3A_441] {strides = array<i32>} : memref<2x128x128xf32, #tpu.memory_space<vmem>>, vector<1x1x16xf32>,
      %get3A_443 = vector.shape_cast %get3A_442 : vector<1x1x16xf32> to vector<16xf32>
      %add3A_444 = arith.constant 384 : i32
      %add3A_445 = arith.addi %add3A_444, %mul3A_318 : i32
      %add3A_446 = arith.constant 1 : i32
      %add3A_447 = arith.addi %add3A_445, %add3A_446 : i32
      %swap3A_448 = arith.index_cast %add3A_447 : i32 to index
      %swap3A_449 = arith.constant 48 : index
      %swap3A_450 = tpu.vector_load %arg7[%swap3A_448, %swap3A_449] {strides = array<i32>} : memref<512x64xf32, #tpu.memory_space<vmem>>, vector<1x16xf32>,
      %swap3A_451 = vector.shape_cast %swap3A_450 : vector<1x16xf32> to vector<16xf32>
      %swap3A_452 = vector.shape_cast %get3A_443 : vector<16xf32> to vector<1x16xf32>
      tpu.vector_store %arg7[%swap3A_448, %swap3A_449], %swap3A_452 {strides = array<i32>} : memref<512x64xf32, #tpu.memory_space<vmem>>, vector<1x16xf32>,
      %add3A_453 = arith.constant 2 : i32
      %add3A_454 = arith.addi %mul3A_318, %add3A_453 : i32
      %get3A_455 = arith.constant 1 : i32
      %get3A_456 = arith.index_cast %get3A_455 : i32 to index
      %get3A_457 = arith.index_cast %add3A_454 : i32 to index
      %get3A_458 = arith.constant 0 : index
      %get3A_459 = tpu.vector_load %arg6[%get3A_456, %get3A_457, %get3A_458] {strides = array<i32>} : memref<2x128x128xf32, #tpu.memory_space<vmem>>, vector<1x1x16xf32>,
      %get3A_460 = vector.shape_cast %get3A_459 : vector<1x1x16xf32> to vector<16xf32>
      %add3A_461 = arith.constant 384 : i32
      %add3A_462 = arith.addi %add3A_461, %mul3A_318 : i32
      %add3A_463 = arith.constant 2 : i32
      %add3A_464 = arith.addi %add3A_462, %add3A_463 : i32
      %swap3A_465 = arith.index_cast %add3A_464 : i32 to index
      %swap3A_466 = arith.constant 0 : index
      %swap3A_467 = tpu.vector_load %arg7[%swap3A_465, %swap3A_466] {strides = array<i32>} : memref<512x64xf32, #tpu.memory_space<vmem>>, vector<1x16xf32>,
      %swap3A_468 = vector.shape_cast %swap3A_467 : vector<1x16xf32> to vector<16xf32>
      %swap3A_469 = vector.shape_cast %get3A_460 : vector<16xf32> to vector<1x16xf32>
      tpu.vector_store %arg7[%swap3A_465, %swap3A_466], %swap3A_469 {strides = array<i32>} : memref<512x64xf32, #tpu.memory_space<vmem>>, vector<1x16xf32>,
      %add3A_470 = arith.constant 2 : i32
      %add3A_471 = arith.addi %mul3A_318, %add3A_470 : i32
      %get3A_472 = arith.constant 1 : i32
      %get3A_473 = arith.index_cast %get3A_472 : i32 to index
      %get3A_474 = arith.index_cast %add3A_471 : i32 to index
      %get3A_475 = arith.constant 16 : index
      %get3A_476 = tpu.vector_load %arg6[%get3A_473, %get3A_474, %get3A_475] {strides = array<i32>} : memref<2x128x128xf32, #tpu.memory_space<vmem>>, vector<1x1x16xf32>,
      %get3A_477 = vector.shape_cast %get3A_476 : vector<1x1x16xf32> to vector<16xf32>
      %add3A_478 = arith.constant 384 : i32
      %add3A_479 = arith.addi %add3A_478, %mul3A_318 : i32
      %add3A_480 = arith.constant 2 : i32
      %add3A_481 = arith.addi %add3A_479, %add3A_480 : i32
      %swap3A_482 = arith.index_cast %add3A_481 : i32 to index
      %swap3A_483 = arith.constant 16 : index
      %swap3A_484 = tpu.vector_load %arg7[%swap3A_482, %swap3A_483] {strides = array<i32>} : memref<512x64xf32, #tpu.memory_space<vmem>>, vector<1x16xf32>,
      %swap3A_485 = vector.shape_cast %swap3A_484 : vector<1x16xf32> to vector<16xf32>
      %swap3A_486 = vector.shape_cast %get3A_477 : vector<16xf32> to vector<1x16xf32>
      tpu.vector_store %arg7[%swap3A_482, %swap3A_483], %swap3A_486 {strides = array<i32>} : memref<512x64xf32, #tpu.memory_space<vmem>>, vector<1x16xf32>,
      %add3A_487 = arith.constant 2 : i32
      %add3A_488 = arith.addi %mul3A_318, %add3A_487 : i32
      %get3A_489 = arith.constant 1 : i32
      %get3A_490 = arith.index_cast %get3A_489 : i32 to index
      %get3A_491 = arith.index_cast %add3A_488 : i32 to index
      %get3A_492 = arith.constant 32 : index
      %get3A_493 = tpu.vector_load %arg6[%get3A_490, %get3A_491, %get3A_492] {strides = array<i32>} : memref<2x128x128xf32, #tpu.memory_space<vmem>>, vector<1x1x16xf32>,
      %get3A_494 = vector.shape_cast %get3A_493 : vector<1x1x16xf32> to vector<16xf32>
      %add3A_495 = arith.constant 384 : i32
      %add3A_496 = arith.addi %add3A_495, %mul3A_318 : i32
      %add3A_497 = arith.constant 2 : i32
      %add3A_498 = arith.addi %add3A_496, %add3A_497 : i32
      %swap3A_499 = arith.index_cast %add3A_498 : i32 to index
      %swap3A_500 = arith.constant 32 : index
      %swap3A_501 = tpu.vector_load %arg7[%swap3A_499, %swap3A_500] {strides = array<i32>} : memref<512x64xf32, #tpu.memory_space<vmem>>, vector<1x16xf32>,
      %swap3A_502 = vector.shape_cast %swap3A_501 : vector<1x16xf32> to vector<16xf32>
      %swap3A_503 = vector.shape_cast %get3A_494 : vector<16xf32> to vector<1x16xf32>
      tpu.vector_store %arg7[%swap3A_499, %swap3A_500], %swap3A_503 {strides = array<i32>} : memref<512x64xf32, #tpu.memory_space<vmem>>, vector<1x16xf32>,
      %add3A_504 = arith.constant 2 : i32
      %add3A_505 = arith.addi %mul3A_318, %add3A_504 : i32
      %get3A_506 = arith.constant 1 : i32
      %get3A_507 = arith.index_cast %get3A_506 : i32 to index
      %get3A_508 = arith.index_cast %add3A_505 : i32 to index
      %get3A_509 = arith.constant 48 : index
      %get3A_510 = tpu.vector_load %arg6[%get3A_507, %get3A_508, %get3A_509] {strides = array<i32>} : memref<2x128x128xf32, #tpu.memory_space<vmem>>, vector<1x1x16xf32>,
      %get3A_511 = vector.shape_cast %get3A_510 : vector<1x1x16xf32> to vector<16xf32>
      %add3A_512 = arith.constant 384 : i32
      %add3A_513 = arith.addi %add3A_512, %mul3A_318 : i32
      %add3A_514 = arith.constant 2 : i32
      %add3A_515 = arith.addi %add3A_513, %add3A_514 : i32
      %swap3A_516 = arith.index_cast %add3A_515 : i32 to index
      %swap3A_517 = arith.constant 48 : index
      %swap3A_518 = tpu.vector_load %arg7[%swap3A_516, %swap3A_517] {strides = array<i32>} : memref<512x64xf32, #tpu.memory_space<vmem>>, vector<1x16xf32>,
      %swap3A_519 = vector.shape_cast %swap3A_518 : vector<1x16xf32> to vector<16xf32>
      %swap3A_520 = vector.shape_cast %get3A_511 : vector<16xf32> to vector<1x16xf32>
      tpu.vector_store %arg7[%swap3A_516, %swap3A_517], %swap3A_520 {strides = array<i32>} : memref<512x64xf32, #tpu.memory_space<vmem>>, vector<1x16xf32>,
      %add3A_521 = arith.constant 3 : i32
      %add3A_522 = arith.addi %mul3A_318, %add3A_521 : i32
      %get3A_523 = arith.constant 1 : i32
      %get3A_524 = arith.index_cast %get3A_523 : i32 to index
      %get3A_525 = arith.index_cast %add3A_522 : i32 to index
      %get3A_526 = arith.constant 0 : index
      %get3A_527 = tpu.vector_load %arg6[%get3A_524, %get3A_525, %get3A_526] {strides = array<i32>} : memref<2x128x128xf32, #tpu.memory_space<vmem>>, vector<1x1x16xf32>,
      %get3A_528 = vector.shape_cast %get3A_527 : vector<1x1x16xf32> to vector<16xf32>
      %add3A_529 = arith.constant 384 : i32
      %add3A_530 = arith.addi %add3A_529, %mul3A_318 : i32
      %add3A_531 = arith.constant 3 : i32
      %add3A_532 = arith.addi %add3A_530, %add3A_531 : i32
      %swap3A_533 = arith.index_cast %add3A_532 : i32 to index
      %swap3A_534 = arith.constant 0 : index
      %swap3A_535 = tpu.vector_load %arg7[%swap3A_533, %swap3A_534] {strides = array<i32>} : memref<512x64xf32, #tpu.memory_space<vmem>>, vector<1x16xf32>,
      %swap3A_536 = vector.shape_cast %swap3A_535 : vector<1x16xf32> to vector<16xf32>
      %swap3A_537 = vector.shape_cast %get3A_528 : vector<16xf32> to vector<1x16xf32>
      tpu.vector_store %arg7[%swap3A_533, %swap3A_534], %swap3A_537 {strides = array<i32>} : memref<512x64xf32, #tpu.memory_space<vmem>>, vector<1x16xf32>,
      %add3A_538 = arith.constant 3 : i32
      %add3A_539 = arith.addi %mul3A_318, %add3A_538 : i32
      %get3A_540 = arith.constant 1 : i32
      %get3A_541 = arith.index_cast %get3A_540 : i32 to index
      %get3A_542 = arith.index_cast %add3A_539 : i32 to index
      %get3A_543 = arith.constant 16 : index
      %get3A_544 = tpu.vector_load %arg6[%get3A_541, %get3A_542, %get3A_543] {strides = array<i32>} : memref<2x128x128xf32, #tpu.memory_space<vmem>>, vector<1x1x16xf32>,
      %get3A_545 = vector.shape_cast %get3A_544 : vector<1x1x16xf32> to vector<16xf32>
      %add3A_546 = arith.constant 384 : i32
      %add3A_547 = arith.addi %add3A_546, %mul3A_318 : i32
      %add3A_548 = arith.constant 3 : i32
      %add3A_549 = arith.addi %add3A_547, %add3A_548 : i32
      %swap3A_550 = arith.index_cast %add3A_549 : i32 to index
      %swap3A_551 = arith.constant 16 : index
      %swap3A_552 = tpu.vector_load %arg7[%swap3A_550, %swap3A_551] {strides = array<i32>} : memref<512x64xf32, #tpu.memory_space<vmem>>, vector<1x16xf32>,
      %swap3A_553 = vector.shape_cast %swap3A_552 : vector<1x16xf32> to vector<16xf32>
      %swap3A_554 = vector.shape_cast %get3A_545 : vector<16xf32> to vector<1x16xf32>
      tpu.vector_store %arg7[%swap3A_550, %swap3A_551], %swap3A_554 {strides = array<i32>} : memref<512x64xf32, #tpu.memory_space<vmem>>, vector<1x16xf32>,
      %add3A_555 = arith.constant 3 : i32
      %add3A_556 = arith.addi %mul3A_318, %add3A_555 : i32
      %get3A_557 = arith.constant 1 : i32
      %get3A_558 = arith.index_cast %get3A_557 : i32 to index
      %get3A_559 = arith.index_cast %add3A_556 : i32 to index
      %get3A_560 = arith.constant 32 : index
      %get3A_561 = tpu.vector_load %arg6[%get3A_558, %get3A_559, %get3A_560] {strides = array<i32>} : memref<2x128x128xf32, #tpu.memory_space<vmem>>, vector<1x1x16xf32>,
      %get3A_562 = vector.shape_cast %get3A_561 : vector<1x1x16xf32> to vector<16xf32>
      %add3A_563 = arith.constant 384 : i32
      %add3A_564 = arith.addi %add3A_563, %mul3A_318 : i32
      %add3A_565 = arith.constant 3 : i32
      %add3A_566 = arith.addi %add3A_564, %add3A_565 : i32
      %swap3A_567 = arith.index_cast %add3A_566 : i32 to index
      %swap3A_568 = arith.constant 32 : index
      %swap3A_569 = tpu.vector_load %arg7[%swap3A_567, %swap3A_568] {strides = array<i32>} : memref<512x64xf32, #tpu.memory_space<vmem>>, vector<1x16xf32>,
      %swap3A_570 = vector.shape_cast %swap3A_569 : vector<1x16xf32> to vector<16xf32>
      %swap3A_571 = vector.shape_cast %get3A_562 : vector<16xf32> to vector<1x16xf32>
      tpu.vector_store %arg7[%swap3A_567, %swap3A_568], %swap3A_571 {strides = array<i32>} : memref<512x64xf32, #tpu.memory_space<vmem>>, vector<1x16xf32>,
      %add3A_572 = arith.constant 3 : i32
      %add3A_573 = arith.addi %mul3A_318, %add3A_572 : i32
      %get3A_574 = arith.constant 1 : i32
      %get3A_575 = arith.index_cast %get3A_574 : i32 to index
      %get3A_576 = arith.index_cast %add3A_573 : i32 to index
      %get3A_577 = arith.constant 48 : index
      %get3A_578 = tpu.vector_load %arg6[%get3A_575, %get3A_576, %get3A_577] {strides = array<i32>} : memref<2x128x128xf32, #tpu.memory_space<vmem>>, vector<1x1x16xf32>,
      %get3A_579 = vector.shape_cast %get3A_578 : vector<1x1x16xf32> to vector<16xf32>
      %add3A_580 = arith.constant 384 : i32
      %add3A_581 = arith.addi %add3A_580, %mul3A_318 : i32
      %add3A_582 = arith.constant 3 : i32
      %add3A_583 = arith.addi %add3A_581, %add3A_582 : i32
      %swap3A_584 = arith.index_cast %add3A_583 : i32 to index
      %swap3A_585 = arith.constant 48 : index
      %swap3A_586 = tpu.vector_load %arg7[%swap3A_584, %swap3A_585] {strides = array<i32>} : memref<512x64xf32, #tpu.memory_space<vmem>>, vector<1x16xf32>,
      %swap3A_587 = vector.shape_cast %swap3A_586 : vector<1x16xf32> to vector<16xf32>
      %swap3A_588 = vector.shape_cast %get3A_579 : vector<16xf32> to vector<1x16xf32>
      tpu.vector_store %arg7[%swap3A_584, %swap3A_585], %swap3A_588 {strides = array<i32>} : memref<512x64xf32, #tpu.memory_space<vmem>>, vector<1x16xf32>,
    }
    %scan3A_230 = arith.constant 32 : i32
    %add3A_231 = arith.constant 384 : i32
    %add3A_232 = arith.addi %mul3A_32, %add3A_231 : i32
    %dma_start3A_233 = arith.constant 3 : i32
    %dma_start3A_234 = arith.constant 384 : i32
    %dma_start3A_235 = arith.constant 0 : i32
    %dma_start3A_236 = tpu.memref_slice %arg7[%dma_start3A_234, %dma_start3A_235] : memref<512x64xf32, #tpu.memory_space<vmem>> -> memref<128x64xf32, #tpu.memory_space<vmem>>
    %dma_start3A_237 = arith.constant 0 : i32
    %dma_start3A_238 = tpu.memref_slice %arg4[%select_n3A, %add3A_232, %dma_start3A_237] : memref<16x1024x64xf32, #tpu.memory_space<hbm>> -> memref<1x128x64xf32, #tpu.memory_space<hbm>>
    %dma_start3A_239 = tpu.memref_squeeze %dma_start3A_238 : memref<1x128x64xf32, #tpu.memory_space<hbm>> -> memref<128x64xf32, #tpu.memory_space<hbm>>
    %dma_start3A_240 = tpu.memref_slice %arg10[%dma_start3A_233] : memref<4x!tpu.dma_semaphore, #tpu.memory_space<semaphore_mem>> -> memref<1x!tpu.dma_semaphore, #tpu.memory_space<semaphore_mem>>
    %dma_start3A_241 = tpu.memref_squeeze %dma_start3A_240 : memref<1x!tpu.dma_semaphore, #tpu.memory_space<semaphore_mem>> -> memref<!tpu.dma_semaphore, #tpu.memory_space<semaphore_mem>>
    %dma_start3A_242 = arith.constant 0 : i32
    %dma_start3A_243 = tpu.memref_slice %arg4[%select_n3A, %add3A_232, %dma_start3A_242] : memref<16x1024x64xf32, #tpu.memory_space<hbm>> -> memref<1x128x64xf32, #tpu.memory_space<hbm>>
    %dma_start3A_244 = tpu.memref_squeeze %dma_start3A_243 : memref<1x128x64xf32, #tpu.memory_space<hbm>> -> memref<128x64xf32, #tpu.memory_space<hbm>>
    %dma_start3A_245 = arith.constant 384 : i32
    %dma_start3A_246 = arith.constant 0 : i32
    %dma_start3A_247 = tpu.memref_slice %arg7[%dma_start3A_245, %dma_start3A_246] : memref<512x64xf32, #tpu.memory_space<vmem>> -> memref<128x64xf32, #tpu.memory_space<vmem>>
    tpu.enqueue_dma source(%dma_start3A_247 : memref<128x64xf32, #tpu.memory_space<vmem>>) target(%dma_start3A_244 : memref<128x64xf32, #tpu.memory_space<hbm>>) target_semaphore(%dma_start3A_241 : memref<!tpu.dma_semaphore, #tpu.memory_space<semaphore_mem>>)
    %add3A_248 = arith.constant 0 : i32
    %add3A_249 = arith.addi %mul3A_32, %add3A_248 : i32
    %dma_wait3A_250 = arith.constant 0 : i32
    %dma_wait3A_251 = arith.constant 0 : i32
    %dma_wait3A_252 = arith.constant 0 : i32
    %dma_wait3A_253 = tpu.memref_slice %arg7[%dma_wait3A_251, %dma_wait3A_252] : memref<512x64xf32, #tpu.memory_space<vmem>> -> memref<128x64xf32, #tpu.memory_space<vmem>>
    %dma_wait3A_254 = arith.constant 0 : i32
    %dma_wait3A_255 = tpu.memref_slice %arg4[%select_n3A, %add3A_249, %dma_wait3A_254] : memref<16x1024x64xf32, #tpu.memory_space<hbm>> -> memref<1x128x64xf32, #tpu.memory_space<hbm>>
    %dma_wait3A_256 = tpu.memref_squeeze %dma_wait3A_255 : memref<1x128x64xf32, #tpu.memory_space<hbm>> -> memref<128x64xf32, #tpu.memory_space<hbm>>
    %dma_wait3A_257 = tpu.memref_slice %arg10[%dma_wait3A_250] : memref<4x!tpu.dma_semaphore, #tpu.memory_space<semaphore_mem>> -> memref<1x!tpu.dma_semaphore, #tpu.memory_space<semaphore_mem>>
    %dma_wait3A_258 = tpu.memref_squeeze %dma_wait3A_257 : memref<1x!tpu.dma_semaphore, #tpu.memory_space<semaphore_mem>> -> memref<!tpu.dma_semaphore, #tpu.memory_space<semaphore_mem>>
    %dma_wait3A_259 = arith.constant 0 : i32
    %dma_wait3A_260 = tpu.memref_slice %arg4[%select_n3A, %add3A_249, %dma_wait3A_259] : memref<16x1024x64xf32, #tpu.memory_space<hbm>> -> memref<1x128x64xf32, #tpu.memory_space<hbm>>
    %dma_wait3A_261 = tpu.memref_squeeze %dma_wait3A_260 : memref<1x128x64xf32, #tpu.memory_space<hbm>> -> memref<128x64xf32, #tpu.memory_space<hbm>>
    %dma_wait3A_262 = arith.constant 0 : i32
    %dma_wait3A_263 = arith.constant 0 : i32
    %dma_wait3A_264 = tpu.memref_slice %arg7[%dma_wait3A_262, %dma_wait3A_263] : memref<512x64xf32, #tpu.memory_space<vmem>> -> memref<128x64xf32, #tpu.memory_space<vmem>>
    tpu.wait_dma2 semaphore(%dma_wait3A_258 : memref<!tpu.dma_semaphore, #tpu.memory_space<semaphore_mem>>) src(%dma_wait3A_264 : memref<128x64xf32, #tpu.memory_space<vmem>>) dst(%dma_wait3A_261 : memref<128x64xf32, #tpu.memory_space<hbm>>)
    %add3A_265 = arith.constant 128 : i32
    %add3A_266 = arith.addi %mul3A_32, %add3A_265 : i32
    %dma_wait3A_267 = arith.constant 1 : i32
    %dma_wait3A_268 = arith.constant 128 : i32
    %dma_wait3A_269 = arith.constant 0 : i32
    %dma_wait3A_270 = tpu.memref_slice %arg7[%dma_wait3A_268, %dma_wait3A_269] : memref<512x64xf32, #tpu.memory_space<vmem>> -> memref<128x64xf32, #tpu.memory_space<vmem>>
    %dma_wait3A_271 = arith.constant 0 : i32
    %dma_wait3A_272 = tpu.memref_slice %arg4[%select_n3A, %add3A_266, %dma_wait3A_271] : memref<16x1024x64xf32, #tpu.memory_space<hbm>> -> memref<1x128x64xf32, #tpu.memory_space<hbm>>
    %dma_wait3A_273 = tpu.memref_squeeze %dma_wait3A_272 : memref<1x128x64xf32, #tpu.memory_space<hbm>> -> memref<128x64xf32, #tpu.memory_space<hbm>>
    %dma_wait3A_274 = tpu.memref_slice %arg10[%dma_wait3A_267] : memref<4x!tpu.dma_semaphore, #tpu.memory_space<semaphore_mem>> -> memref<1x!tpu.dma_semaphore, #tpu.memory_space<semaphore_mem>>
    %dma_wait3A_275 = tpu.memref_squeeze %dma_wait3A_274 : memref<1x!tpu.dma_semaphore, #tpu.memory_space<semaphore_mem>> -> memref<!tpu.dma_semaphore, #tpu.memory_space<semaphore_mem>>
    %dma_wait3A_276 = arith.constant 0 : i32
    %dma_wait3A_277 = tpu.memref_slice %arg4[%select_n3A, %add3A_266, %dma_wait3A_276] : memref<16x1024x64xf32, #tpu.memory_space<hbm>> -> memref<1x128x64xf32, #tpu.memory_space<hbm>>
    %dma_wait3A_278 = tpu.memref_squeeze %dma_wait3A_277 : memref<1x128x64xf32, #tpu.memory_space<hbm>> -> memref<128x64xf32, #tpu.memory_space<hbm>>
    %dma_wait3A_279 = arith.constant 128 : i32
    %dma_wait3A_280 = arith.constant 0 : i32
    %dma_wait3A_281 = tpu.memref_slice %arg7[%dma_wait3A_279, %dma_wait3A_280] : memref<512x64xf32, #tpu.memory_space<vmem>> -> memref<128x64xf32, #tpu.memory_space<vmem>>
    tpu.wait_dma2 semaphore(%dma_wait3A_275 : memref<!tpu.dma_semaphore, #tpu.memory_space<semaphore_mem>>) src(%dma_wait3A_281 : memref<128x64xf32, #tpu.memory_space<vmem>>) dst(%dma_wait3A_278 : memref<128x64xf32, #tpu.memory_space<hbm>>)
    %add3A_282 = arith.constant 256 : i32
    %add3A_283 = arith.addi %mul3A_32, %add3A_282 : i32
    %dma_wait3A_284 = arith.constant 2 : i32
    %dma_wait3A_285 = arith.constant 256 : i32
    %dma_wait3A_286 = arith.constant 0 : i32
    %dma_wait3A_287 = tpu.memref_slice %arg7[%dma_wait3A_285, %dma_wait3A_286] : memref<512x64xf32, #tpu.memory_space<vmem>> -> memref<128x64xf32, #tpu.memory_space<vmem>>
    %dma_wait3A_288 = arith.constant 0 : i32
    %dma_wait3A_289 = tpu.memref_slice %arg4[%select_n3A, %add3A_283, %dma_wait3A_288] : memref<16x1024x64xf32, #tpu.memory_space<hbm>> -> memref<1x128x64xf32, #tpu.memory_space<hbm>>
    %dma_wait3A_290 = tpu.memref_squeeze %dma_wait3A_289 : memref<1x128x64xf32, #tpu.memory_space<hbm>> -> memref<128x64xf32, #tpu.memory_space<hbm>>
    %dma_wait3A_291 = tpu.memref_slice %arg10[%dma_wait3A_284] : memref<4x!tpu.dma_semaphore, #tpu.memory_space<semaphore_mem>> -> memref<1x!tpu.dma_semaphore, #tpu.memory_space<semaphore_mem>>
    %dma_wait3A_292 = tpu.memref_squeeze %dma_wait3A_291 : memref<1x!tpu.dma_semaphore, #tpu.memory_space<semaphore_mem>> -> memref<!tpu.dma_semaphore, #tpu.memory_space<semaphore_mem>>
    %dma_wait3A_293 = arith.constant 0 : i32
    %dma_wait3A_294 = tpu.memref_slice %arg4[%select_n3A, %add3A_283, %dma_wait3A_293] : memref<16x1024x64xf32, #tpu.memory_space<hbm>> -> memref<1x128x64xf32, #tpu.memory_space<hbm>>
    %dma_wait3A_295 = tpu.memref_squeeze %dma_wait3A_294 : memref<1x128x64xf32, #tpu.memory_space<hbm>> -> memref<128x64xf32, #tpu.memory_space<hbm>>
    %dma_wait3A_296 = arith.constant 256 : i32
    %dma_wait3A_297 = arith.constant 0 : i32
    %dma_wait3A_298 = tpu.memref_slice %arg7[%dma_wait3A_296, %dma_wait3A_297] : memref<512x64xf32, #tpu.memory_space<vmem>> -> memref<128x64xf32, #tpu.memory_space<vmem>>
    tpu.wait_dma2 semaphore(%dma_wait3A_292 : memref<!tpu.dma_semaphore, #tpu.memory_space<semaphore_mem>>) src(%dma_wait3A_298 : memref<128x64xf32, #tpu.memory_space<vmem>>) dst(%dma_wait3A_295 : memref<128x64xf32, #tpu.memory_space<hbm>>)
    %add3A_299 = arith.constant 384 : i32
    %add3A_300 = arith.addi %mul3A_32, %add3A_299 : i32
    %dma_wait3A_301 = arith.constant 3 : i32
    %dma_wait3A_302 = arith.constant 384 : i32
    %dma_wait3A_303 = arith.constant 0 : i32
    %dma_wait3A_304 = tpu.memref_slice %arg7[%dma_wait3A_302, %dma_wait3A_303] : memref<512x64xf32, #tpu.memory_space<vmem>> -> memref<128x64xf32, #tpu.memory_space<vmem>>
    %dma_wait3A_305 = arith.constant 0 : i32
    %dma_wait3A_306 = tpu.memref_slice %arg4[%select_n3A, %add3A_300, %dma_wait3A_305] : memref<16x1024x64xf32, #tpu.memory_space<hbm>> -> memref<1x128x64xf32, #tpu.memory_space<hbm>>
    %dma_wait3A_307 = tpu.memref_squeeze %dma_wait3A_306 : memref<1x128x64xf32, #tpu.memory_space<hbm>> -> memref<128x64xf32, #tpu.memory_space<hbm>>
    %dma_wait3A_308 = tpu.memref_slice %arg10[%dma_wait3A_301] : memref<4x!tpu.dma_semaphore, #tpu.memory_space<semaphore_mem>> -> memref<1x!tpu.dma_semaphore, #tpu.memory_space<semaphore_mem>>
    %dma_wait3A_309 = tpu.memref_squeeze %dma_wait3A_308 : memref<1x!tpu.dma_semaphore, #tpu.memory_space<semaphore_mem>> -> memref<!tpu.dma_semaphore, #tpu.memory_space<semaphore_mem>>
    %dma_wait3A_310 = arith.constant 0 : i32
    %dma_wait3A_311 = tpu.memref_slice %arg4[%select_n3A, %add3A_300, %dma_wait3A_310] : memref<16x1024x64xf32, #tpu.memory_space<hbm>> -> memref<1x128x64xf32, #tpu.memory_space<hbm>>
    %dma_wait3A_312 = tpu.memref_squeeze %dma_wait3A_311 : memref<1x128x64xf32, #tpu.memory_space<hbm>> -> memref<128x64xf32, #tpu.memory_space<hbm>>
    %dma_wait3A_313 = arith.constant 384 : i32
    %dma_wait3A_314 = arith.constant 0 : i32
    %dma_wait3A_315 = tpu.memref_slice %arg7[%dma_wait3A_313, %dma_wait3A_314] : memref<512x64xf32, #tpu.memory_space<vmem>> -> memref<128x64xf32, #tpu.memory_space<vmem>>
    tpu.wait_dma2 semaphore(%dma_wait3A_309 : memref<!tpu.dma_semaphore, #tpu.memory_space<semaphore_mem>>) src(%dma_wait3A_315 : memref<128x64xf32, #tpu.memory_space<vmem>>) dst(%dma_wait3A_312 : memref<128x64xf32, #tpu.memory_space<hbm>>)
    return
  }
}

</mosaic_0001>

<sc_bundles>
// kernel: kernel.3.cloned.1.call-start
scs
__scs_entry_jumppad:
0x0: {  	(pc) =	sbr.rel $0x88, $3  }
0x1: {  	(tag) =	ssettag $0x0;
	lr =	simm.s32 $0x1  }
0x2: {  	[smem:$0x3F9F] =	sst lr;
	_ =	strace $0xD0000000  }
0x3: {  	_ = 	snop  }
0x4: {  	_ = 	snop  }
0x5: {  	_ = 	snop  }
0x6: {  	_ = 	snop  }
0x7: {  	_ = 	snop  }
__scs_overlays_trampoline_lowered:
0x8: {  	[smem:$0x3FAE] =	sst s0  }
0x9: {  	[smem:$0x3FAF] =	sst s1  }
0xa: {  	[smem:$0x3FB0] =	sst s2  }
0xb: {  	[smem:$0x3FB1] =	sst s3  }
0xc: {  	[smem:$0x3FB2] =	sst s4  }
0xd: {  	[smem:$0x3FB3] =	sst s5  }
0xe: {  	[smem:$0x3FB4] =	sst s6  }
0xf: {  	[smem:$0x3FB5] =	sst s7  }
0x10: {  	[smem:$0x3FB6] =	sst s8  }
0x11: {  	[smem:$0x3FB7] =	sst s9;
	s0 =	simm.s32 @!p0 $0x0  }
0x12: {  	s1 =	sld [smem:$0x3F9D];
	s0 =	simm.s32 @p0 $0x1  }
0x13: {  	[smem:$0x3FB8] =	sst s0;
	s0 =	simm.s32 @!p1 $0x0  }
0x14: {  	s2 =	sld [smem:$0x3F9C];
	s0 =	simm.s32 @p1 $0x1  }
0x15: {  	[smem:$0x3FB9] =	sst s0;
	s0 =	simm.s32 @!p2 $0x0  }
0x16: {  	s3 =	sld [smem:$0x3FDB];
	s0 =	simm.s32 @p2 $0x1  }
0x17: {  	s4 =	simm.s32 $0x1BF5;
	[smem:$0x3FBB] =	sst s0  }
0x18: {  	s0 =	sld [smem:$0x3F9E];
	_ =	swait.ge [sflag:s4], $0x0  }
0x19: {  	s7 =	sld [smem:$0x3F9F]  }
0x1a: {  	s8 =	sadd.s32 $0xFFFFE003, lr  }
0x1b: {  	s9 =	sadd.s32 $0xFFFFFEF7, lr;
	s5 =	simm.s32 $0xFFFFFFFF;
	p2 =	slt.u32 s8, $0xFFFFF086  }
0x1c: {  	p1 =	slt.u32 s9, $0xF7A;
	s5 =	simm.s32 @!p2 $0x0  }
0x1d: {  	s5 =	simm.s32 @p1 $0x1;
	p0 =	seq.s32 s7, s2  }
0x1e: {  	s7 =	smul.u32 @!p0 $0xF7A, s2;
	p2 =	seq.s32 @!p0 s5, $0x0  }
0x1f: {  	s9 =	smul.u32 $0xF7A, s1;
	s8 =	simm.s32 @!p0 $0x1BF5;
	p2 =	por !p2, p0  }
0x20: {  	[sflag:s8] =	ssyncset.s32 @!p0 $0xFFFFF086;
	s6 =	sadd.s32 @!p0 s3, s7;
	s7 =	simm.s32 @!p0 $0x108  }
0x21: {  	s3 =	sadd.s32 s3, s9;
	s6 =	sadd.s32 @!p0 $0x88, s6;
	s7 =	simm.s32 @p2 $0x1082  }
0x22: {  	[simem:s7], [sflag:s8] =	dma.local @!p0 [hbm:s6], $0xF7A  }
0x23: {  	s9 =	sor.u32 $0xD0000000, s2;
	s6 =	simm.s32 $0x108;
	_ =	swait.ge @!p0 [sflag:s8], $0x0  }
0x24: {  	s3 =	sadd.s32 $0x88, s3;
	s6 =	simm.s32 @!p1 $0x1082;
	[sflag:s4] =	ssyncset.s32 $0xFFFFF086  }
0x25: {  	[simem:s6], [sflag:s4] =	dma.local [hbm:s3], $0xF7A  }
0x26: {  	[smem:$0x3F9F] =	sst s1;
	(tag) =	ssettag s2;
	_ =	strace s9  }
0x27: {  	s1 =	sld [smem:$0x3FAF]  }
0x28: {  	s2 =	sld [smem:$0x3FB0]  }
0x29: {  	s4 =	sld [smem:$0x3FB2]  }
0x2a: {  	p0 =	seq.s32 s5, $0x0;
	s5 =	sld [smem:$0x3FB3]  }
0x2b: {  	s6 =	sld [smem:$0x3FB4]  }
0x2c: {  	s7 =	sld [smem:$0x3FB5]  }
0x2d: {  	s3 =	simm.s32 $0x108;
	s8 =	sld [smem:$0x3FB6]  }
0x2e: {  	s3 =	simm.s32 @!p0 $0x1082;
	s9 =	sld [smem:$0x3FB7]  }
0x2f: {  	lr =	sadd.s32 s0, s3;
	s0 =	sld [smem:$0x3FAE]  }
0x30: {  	s3 =	sld [smem:$0x3FB1]  }
0x31: {  	[smem:$0x3FBA] =	sst s10  }
0x32: {  	s10 =	sld [smem:$0x3FB8];
	_ =	sdelay $0x3  }
0x33: {  	p0 =	seq.s32 s10, $0x1;
	s10 =	sld [smem:$0x3FBA];
	_ =	sdelay $0x3  }
0x34: {  	[smem:$0x3FBA] =	sst s10  }
0x35: {  	s10 =	sld [smem:$0x3FB9];
	_ =	sdelay $0x3  }
0x36: {  	p1 =	seq.s32 s10, $0x1;
	s10 =	sld [smem:$0x3FBA];
	_ =	sdelay $0x3  }
0x37: {  	[smem:$0x3FBA] =	sst s10  }
0x38: {  	s10 =	sld [smem:$0x3FBB]  }
0x39: {  	_ = 	snop;
	(pc) =	sbr.ind lr, $3  }
0x3a: {  	_ = 	snop  }
0x3b: {  	_ = 	snop  }
0x3c: {  	p2 =	seq.s32 s10, $0x1;
	s10 =	sld [smem:$0x3FBA]  }
0x3d: {  	_ =	shalt  }
0x3e: {  	_ =	shalt  }
0x3f: {  	_ =	shalt  }
0x40: {  	_ =	shalt  }
0x41: {  	_ =	shalt  }
0x42: {  	_ =	shalt  }
0x43: {  	_ =	shalt  }
0x44: {  	_ =	shalt  }
0x45: {  	_ =	shalt  }
0x46: {  	_ =	shalt  }
0x47: {  	_ =	shalt  }
0x48: {  	_ =	shalt  }
0x49: {  	_ =	shalt  }
0x4a: {  	_ =	shalt  }
0x4b: {  	_ =	shalt  }
0x4c: {  	_ =	shalt  }
0x4d: {  	_ =	shalt  }
0x4e: {  	_ =	shalt  }
0x4f: {  	_ =	shalt  }
0x50: {  	_ =	shalt  }
0x51: {  	_ =	shalt  }
0x52: {  	_ =	shalt  }
0x53: {  	_ =	shalt  }
0x54: {  	_ =	shalt  }
0x55: {  	_ =	shalt  }
0x56: {  	_ =	shalt  }
0x57: {  	_ =	shalt  }
0x58: {  	_ =	shalt  }
0x59: {  	_ =	shalt  }
0x5a: {  	_ =	shalt  }
0x5b: {  	_ =	shalt  }
0x5c: {  	_ =	shalt  }
0x5d: {  	_ =	shalt  }
0x5e: {  	_ =	shalt  }
0x5f: {  	_ =	shalt  }
0x60: {  	_ =	shalt  }
0x61: {  	_ =	shalt  }
0x62: {  	_ =	shalt  }
0x63: {  	_ =	shalt  }
0x64: {  	_ =	shalt  }
0x65: {  	_ =	shalt  }
0x66: {  	_ =	shalt  }
0x67: {  	_ =	shalt  }
0x68: {  	_ =	shalt  }
0x69: {  	_ =	shalt  }
0x6a: {  	_ =	shalt  }
0x6b: {  	_ =	shalt  }
0x6c: {  	_ =	shalt  }
0x6d: {  	_ =	shalt  }
0x6e: {  	_ =	shalt  }
0x6f: {  	_ =	shalt  }
0x70: {  	_ =	shalt  }
0x71: {  	_ =	shalt  }
0x72: {  	_ =	shalt  }
0x73: {  	_ =	shalt  }
0x74: {  	_ =	shalt  }
0x75: {  	_ =	shalt  }
0x76: {  	_ =	shalt  }
0x77: {  	_ =	shalt  }
0x78: {  	_ =	shalt  }
0x79: {  	_ =	shalt  }
0x7a: {  	_ =	shalt  }
0x7b: {  	_ =	shalt  }
0x7c: {  	_ =	shalt  }
0x7d: {  	_ =	shalt  }
0x7e: {  	_ =	shalt  }
0x7f: {  	_ =	shalt  }
0x80: {  	_ =	shalt  }
0x81: {  	_ =	shalt  }
0x82: {  	_ =	shalt  }
0x83: {  	_ =	shalt  }
0x84: {  	_ =	shalt  }
0x85: {  	_ =	shalt  }
0x86: {  	_ =	shalt  }
0x87: {  	_ =	shalt  }
.Lfunc_end0:
.L_simem_size_0:
called_computation_lowered:
.L_overlay_start_0:
0x88: {  	s2 =	sld [smem:$0x3FD9]  }
0x89: {  	s3 =	sld [smem:$0x3FFE];
	_ =	sdelay $0x1  }
0x8a: {  	s1 =	srdreg.scid  }
0x8b: {  	s0 =	sand.u32 $0x1, s1  }
0x8c: {  	s17 =	sshll.u32 s0, $0xA;
	s2 =	sadd.s32 s3, s2  }
0x8d: {  	s2 =	sadd.s32 s2, s17  }
0x8e: {  	[smem:$0x3FC6] =	sst s2  }
0x8f: {  	_ = 	snop  }
0x90: {  	s2 =	sld [smem:$0x3FC9]  }
0x91: {  	s18 =	sld [smem:$0x3FD0];
	(tm) =	ssettm $0x1  }
0x92: {  	s4 =	sld [smem:$0x3FFB];
	_ =	sdelay $0x3  }
0x93: {  	_ =	strace s4  }
0x94: {  	s4 =	sld [smem:$0x3FFC];
	_ =	sdelay $0x3  }
0x95: {  	_ =	strace s4  }
0x96: {  	s4 =	sld [smem:$0x3FFD];
	_ =	sdelay $0x3  }
0x97: {  	_ =	strace s4  }
0x98: {  	_ =	strace $0x8FFFFFFF  }
0x99: {  	s19 =	sld [smem:$0x3FDB];
	_ =	sdelay $0x1  }
0x9a: {  	s5 =	simm.s32 $_scs_section_size  }
0x9b: {  	s6 =	simm.s32 $_size__tile_overlayer_lowered;
	s7 =	simm.s32 $_tile_overlayer_lowered  }
0x9c: {  	s22 =	simm.s32 $0x1BFF;
	s21 =	sshll.u32 s7, $0x1;
	s4 =	sadd.s32 s5, s19  }
0x9d: {  	s8 =	simm.s32 $0x0;
	s20 =	sshll.u32 s6, $0x1;
	s6 =	sadd.s32 s21, s4  }
0x9e: {  	[timem:s8], [sflag:s22] =	dma.local [hbm:s6], s20  }
0x9f: {  	_ =	swait.ge [sflag:s22], s20  }
0xa0: {  	s5 =	ssub.s32 $0x0, s20;
	[sflag:s22] =	ssyncset.done $0x0  }
0xa1: {  	[sflag:s22] =	ssyncadd.s32 s5;
	_ =	sdelay $0x1  }
0xa2: {  	s23 =	simm.s32 $0x1B8B  }
0xa3: {  	_ =	swait.ge [sflag:s23], $0x1  }
0xa4: {  	[sflag:s23] =	ssyncset.done $0x0  }
0xa5: {  	s25 =	simm.s32 $0x1B8E;
	s24 =	sld [smem:$0x3FFE];
	[sflag:s23] =	ssyncadd.s32 $0xFFFFFFFF  }
0xa6: {  	s26 =	simm.s32 $execute0_lowered;
	[smem:$0x3FD2] =	sst s25  }
0xa7: {  	s6 =	sshll.u32 s26, $0x1;
	_ =	strace $0x80000046;
	[dreg:$0x1] =	wrdreg $0xFFFFFFFF  }
0xa8: {  	s28 =	simm.s32 $_size_execute0_lowered;
	s4 =	sadd.s32 s4, s6;
	[dreg:$0x0] =	wrdreg $0x0  }
0xa9: {  	s6 =	sshll.u32 s28, $0x1;
	[dreg:$0x2] =	wrdreg s4  }
0xaa: {  	[dreg:$0x3] =	wrdreg s6  }
0xab: {  	[dreg:$0x4] =	wrdreg $0xC0  }
0xac: {  	_ =	task [dreg:s8], $0x5FFFF  }
0xad: {  	[dreg:$0x1] =	wrdreg $0xFFFFFFFF  }
0xae: {  	[dreg:$0x0] =	wrdreg $0x60  }
0xaf: {  	[dreg:$0x2] =	wrdreg s18  }
0xb0: {  	[dreg:$0x3] =	wrdreg s2  }
0xb1: {  	[dreg:$0x4] =	wrdreg s24  }
0xb2: {  	[dreg:$0x5] =	wrdreg $0x182000  }
0xb3: {  	[dreg:$0x6] =	wrdreg $0x9  }
0xb4: {  	_ =	task.clear_ibuf [dreg:s8], $0x7FFFF;
	_ =	strace $0x90000046  }
0xb5: {  	s29 =	simm.s32 $0x9;
	_ =	strace $0x80000048  }
0xb6: {  	_ =	swait.ge [sflag:s29], $0x1  }
0xb7: {  	[sflag:s29] =	ssyncadd.s32 $0xFFFFFFFF  }
0xb8: {  	_ =	strace $0x90000048  }
0xb9: {  	_ =	sfence  }
0xba: {  	s30 =	sld [smem:$0x0];
	_ =	sdelay $0x2  }
0xbb: {  	s31 =	sshll.u32 s1, $0xD;
	s1 =	sshrl.u32 s1, $0x2  }
0xbc: {  	s3 =	sand.u32 $0x4000, s31;
	s1 =	sadd.s32 s1, s30  }
0xbd: {  	s0 =	sor.u32 s3, s0;
	s1 =	sshll.u32 s1, $0x11  }
0xbe: {  	s0 =	sor.u32 s1, s0  }
0xbf: {  	s0 =	sadd.s32 $0x8F2B, s0  }
0xc0: {  	[sflag:s0] =	ssyncadd.remote.s32 $0x1  }
0xc1: {  	_ =	sfence.sel $0xFFFF  }
0xc2: {  	[dreg:$0x0] =	wrdreg $0xFFFFFFFF;
	(pc) =	sbr.abs _section_cstart, $3  }
0xc3: {  	[dreg:$0x1] =	wrdreg $0xFFFFFFFF  }
0xc4: {  	_ =	task.clear_ibuf [dreg:s8], $0x2FFFF;
	_ =	strace $0x9FFFFFFF  }
0xc5: {  	(tm) =	ssettm $0x7FFFFFFF  }
tec
execute0_lowered:
.L_overlay_start_1:
0x0: {  	(tag) =	ssettag $0x1  }
0x1: {  	s5 =	rddreg [dreg:$0x0]  }
0x2: {  	s21 =	rddreg [dreg:$0x1]  }
0x3: {  	s0 =	srdreg.scid;
	s6 =	rddreg [dreg:$0x2]  }
0x4: {  	s14 =	stileid.u32;
	s4 =	simm.s32 $0x1;
	s2 =	rddreg [dreg:$0x3]  }
0x5: {  	s3 =	simm.s32 $0x0;
	s16 =	simm.s32 $0x9;
	s17 =	simm.s32 $0x5  }
0x6: {  	s18 =	simm.s32 $0x200;
	s19 =	simm.s32 $0x4200;
	s28 =	simm.s32 $0x4  }
0x7: {  	s29 =	simm.s32 $0x14200;
	s30 =	simm.s32 $0x6;
	s31 =	simm.s32 $0x7  }
0x8: {  	s0 =	sand.u32 $0x1, s0;
	[smem:$0x7FF] =	sst s3;
	s23 =	sshll.u32 s14, $0xC  }
0x9: {  	s25 =	sshll.u32 s14, $0x9;
	s26 =	sshll.u32 s14, $0x6;
	s1 =	sor.u32 s0, s14  }
0xa: {  	p1 =	seq.s32 s0, $0x1;
	s8 =	sshll.u32 s0, $0x10;
	_ =	strace $0x80000047  }
0xb: {  	s9 =	ssub.s32 $0x2, s0;
	s0 =	sshll.u32 s0, $0xC;
	p0 =	seq.s32 s1, $0x0  }
0xc: {  	s13 =	sadd.s32 s23, s2;
	s5 =	sadd.s32 s5, s25;
	p0 =	por !p0, !p1  }
0xd: {  	s23 =	simm.s32 $0x180;
	s25 =	simm.s32 $0x3;
	p0 =	por !p0, !p0  }
0xe: {  	s10 =	sshrl.u32 s9, $0x1;
	s13 =	sshrl.u32 s13, $0x3;
	s4 =	simm.s32 @!p0 $0x0  }
0xf: {  	s1 =	simm.s32 $0x8;
	s12 =	ssub.s32 s9, s10;
	s7 =	ssub.s32 s14, s4  }
0x10: {  	s12 =	smax.u32 s12, $0x1;
	s14 =	simm.s32 $0x80;
	s4 =	sshll.u32 s7, $0x11  }
0x11: {  	s22 =	sshll.u32 s7, $0xA;
	s7 =	sshll.u32 s7, $0x7;
	s8 =	sor.u32 s8, s4  }
0x12: {  	s4 =	simm.s32 $0x1;
	s24 =	sand.u32 $0x380, s7;
	s8 =	sshrl.u32 s8, $0x3  }
0x13: {  	s11 =	sadd.s32 s8, s6;
	s6 =	sand.u32 $0xFFFFE000, s22;
	s22 =	simm.s32 $0x2  }
0x14: {  	s0 =	sor.u32 s0, s6;
	s6 =	sor.u32 $0x1C05, s26;
	s8 =	sadd.s32 $0x400, s11  }
0x15: {  	s9 =	sadd.s32 $0xC00, s11;
	s10 =	sadd.s32 $0x1400, s11;
	s0 =	sor.u32 s24, s0  }
0x16: {  	s11 =	sadd.s32 $0x1C00, s11;
	s26 =	simm.s32 $0x10200;
	s0 =	sshrl.u32 s0, $0x3  }
0x17: {  	s24 =	simm.s32 $0xC200;
	s7 =	sadd.s32 s21, s0;
	s0 =	simm.s32 $0x0  }
.LBB2_1:
0x18: {  	[spmem:s13], [sflag:s6] =	dma.local [hbm:s5], $0x200  }
0x19: {  	s15 =	simm.s32 $0x400  }
0x1a: {  	[tilespmem:s3], [sflag:$0x9] =	stream.strided.gather [hbm4b:s7+s14], $0x200, s15, s14, $0x38;
	[tilespmem:$0x19200] =	vst v63  }
0x1b: {  	_ =	swait.ge [sflag:s16], $0x200  }
0x1c: {  	[sflag:s16] =	ssyncset.done $0x0  }
0x1d: {  	[sflag:s16] =	ssyncadd.s32 $0xFFFFFE00  }
0x1e: {  	_ =	swait.ge [sflag:s17], $0x200  }
0x1f: {  	[sflag:s17] =	ssyncset.done $0x0  }
0x20: {  	[sflag:s17] =	ssyncadd.s32 $0xFFFFFE00  }
0x21: {  	[bflag:$0x0] =	sbarrier.arrive $0xFFFF  }
0x22: {  	[tilespmem:s18], [sflag:$0x1] =	stream.indirect.gather [spmem:s2], $0x80, s3, s14, $0xb8;
	[tilespmem:$0x19200] =	vst v63  }
0x23: {  	_ = 	snop  }
0x24: {  	[tilespmem:s19], [sflag:$0x2] =	stream.indirect.gather [spmem:s2], $0x80, s14, s14, $0xb8;
	[tilespmem:$0x19200] =	vst v63  }
0x25: {  	_ =	swait.ge [sflag:s4], $0x4000  }
0x26: {  	[sflag:s4] =	ssyncset.done $0x0  }
0x27: {  	s15 =	simm.s32 $0x0;
	[sflag:s4] =	ssyncadd.s32 $0xFFFFC000  }
0x28: {  	v0 =	vld [tilespmem:s15+$0x3B0]  }
0x29: {  	v1 =	vld [tilespmem:s15+$0x200]  }
0x2a: {  	v2 =	vld [tilespmem:s15+$0x210]  }
0x2b: {  	v3 =	vld [tilespmem:s15+$0x220]  }
0x2c: {  	v4 =	vld [tilespmem:s15+$0x230]  }
0x2d: {  	v5 =	vld [tilespmem:s15+$0x280];
	[tilespmem:s15+$0x83B0] =	vst v0  }
0x2e: {  	[tilespmem:s15+$0x8200] =	vst v1;
	v0 =	vld [tilespmem:s15+$0x290]  }
0x2f: {  	[tilespmem:s15+$0x8210] =	vst v2;
	v1 =	vld [tilespmem:s15+$0x2A0]  }
0x30: {  	[tilespmem:s15+$0x8220] =	vst v3;
	v2 =	vld [tilespmem:s15+$0x2B0]  }
0x31: {  	[tilespmem:s15+$0x8230] =	vst v4;
	v3 =	vld [tilespmem:s15+$0x300]  }
0x32: {  	[tilespmem:s15+$0x8280] =	vst v5;
	v4 =	vld [tilespmem:s15+$0x310]  }
0x33: {  	[tilespmem:s15+$0x8290] =	vst v0;
	v0 =	vld [tilespmem:s15+$0x320]  }
0x34: {  	[tilespmem:s15+$0x82A0] =	vst v1;
	v1 =	vld [tilespmem:s15+$0x330]  }
0x35: {  	[tilespmem:s15+$0x82B0] =	vst v2;
	v2 =	vld [tilespmem:s15+$0x380]  }
0x36: {  	[tilespmem:s15+$0x8300] =	vst v3;
	v3 =	vld [tilespmem:s15+$0x390]  }
0x37: {  	s20 =	simm.s32 $0x200;
	s21 =	simm.s32 $0x1000;
	[tilespmem:s15+$0x8310] =	vst v4;
	v4 =	vld [tilespmem:s15+$0x3A0]  }
.LBB2_2:
0x38: {  	p0 =	sne.s32 s21, $0xF800;
	v5 =	vld [tilespmem:s20+$0x3B0];
	[tilespmem:s15+$0x8320] =	vst v0  }
0x39: {  	v0 =	vld [tilespmem:s20+$0x200];
	[tilespmem:s15+$0x8330] =	vst v1  }
0x3a: {  	v1 =	vld [tilespmem:s20+$0x210];
	[tilespmem:s15+$0x8380] =	vst v2  }
0x3b: {  	v2 =	vld [tilespmem:s20+$0x220];
	[tilespmem:s15+$0x8390] =	vst v3  }
0x3c: {  	v3 =	vld [tilespmem:s20+$0x230];
	[tilespmem:s15+$0x83A0] =	vst v4;
	s15 =	smov.u32 s20  }
0x3d: {  	v4 =	vld [tilespmem:s15+$0x280];
	[tilespmem:s15+$0x83B0] =	vst v5  }
0x3e: {  	[tilespmem:s15+$0x8200] =	vst v0;
	v0 =	vld [tilespmem:s15+$0x290]  }
0x3f: {  	[tilespmem:s15+$0x8210] =	vst v1;
	v1 =	vld [tilespmem:s15+$0x2A0]  }
0x40: {  	[tilespmem:s15+$0x8220] =	vst v2;
	v2 =	vld [tilespmem:s15+$0x2B0]  }
0x41: {  	[tilespmem:s15+$0x8230] =	vst v3;
	v3 =	vld [tilespmem:s15+$0x300]  }
0x42: {  	[tilespmem:s15+$0x8280] =	vst v4;
	v4 =	vld [tilespmem:s15+$0x310]  }
.Ltmp0:
0x43: {  	[tilespmem:s15+$0x8290] =	vst v0;
	v0 =	vld [tilespmem:s15+$0x320];
	(pc) =	sbr.rel @p0 .LBB2_2-.Ltmp0, $4  }
0x44: {  	[tilespmem:s15+$0x82A0] =	vst v1;
	v1 =	vld [tilespmem:s15+$0x330]  }
0x45: {  	[tilespmem:s15+$0x82B0] =	vst v2;
	v2 =	vld [tilespmem:s15+$0x380]  }
0x46: {  	[tilespmem:s15+$0x8300] =	vst v3;
	v3 =	vld [tilespmem:s15+$0x390]  }
0x47: {  	s20 =	sshra.s32 s21, $0x2;
	s21 =	sadd.s32 $0x800, s21;
	[tilespmem:s15+$0x8310] =	vst v4;
	v4 =	vld [tilespmem:s15+$0x3A0]  }
0x48: {  	v5 =	vld [tilespmem:s20+$0x3B0];
	[tilespmem:s15+$0x8320] =	vst v0  }
0x49: {  	v0 =	vld [tilespmem:s20+$0x200];
	[tilespmem:s15+$0x8330] =	vst v1  }
0x4a: {  	v1 =	vld [tilespmem:s20+$0x210];
	[tilespmem:s15+$0x8380] =	vst v2  }
0x4b: {  	v2 =	vld [tilespmem:s20+$0x220];
	[tilespmem:s15+$0x8390] =	vst v3  }
0x4c: {  	v3 =	vld [tilespmem:s20+$0x230];
	[tilespmem:s15+$0x83A0] =	vst v4  }
0x4d: {  	v4 =	vld [tilespmem:s20+$0x280];
	[tilespmem:s20+$0x83B0] =	vst v5  }
0x4e: {  	[tilespmem:s20+$0x8200] =	vst v0;
	v0 =	vld [tilespmem:s20+$0x290]  }
0x4f: {  	[tilespmem:s20+$0x8210] =	vst v1;
	v1 =	vld [tilespmem:s20+$0x2A0]  }
0x50: {  	[tilespmem:s20+$0x8220] =	vst v2;
	v2 =	vld [tilespmem:s20+$0x2B0]  }
0x51: {  	[tilespmem:s20+$0x8230] =	vst v3;
	v3 =	vld [tilespmem:s20+$0x300]  }
0x52: {  	[tilespmem:s20+$0x8280] =	vst v4;
	v4 =	vld [tilespmem:s20+$0x310]  }
0x53: {  	[tilespmem:s20+$0x8290] =	vst v0;
	v0 =	vld [tilespmem:s20+$0x320]  }
0x54: {  	[tilespmem:s20+$0x82A0] =	vst v1;
	v1 =	vld [tilespmem:s20+$0x330]  }
0x55: {  	[tilespmem:s20+$0x82B0] =	vst v2;
	v2 =	vld [tilespmem:s20+$0x380]  }
0x56: {  	[tilespmem:s20+$0x8300] =	vst v3;
	v3 =	vld [tilespmem:s20+$0x390]  }
0x57: {  	[tilespmem:s20+$0x8310] =	vst v4;
	v4 =	vld [tilespmem:s20+$0x3A0]  }
0x58: {  	[tilespmem:s20+$0x8320] =	vst v0  }
0x59: {  	[tilespmem:s20+$0x8330] =	vst v1  }
0x5a: {  	[tilespmem:s20+$0x8380] =	vst v2  }
0x5b: {  	[tilespmem:s20+$0x8390] =	vst v3  }
0x5c: {  	s21 =	simm.s32 $0x100;
	[tilespmem:s20+$0x83A0] =	vst v4  }
0x5d: {  	[tilespmem:s18], [sflag:$0x3] =	stream.indirect.gather [spmem:s2], $0x80, s21, s14, $0xb8;
	[tilespmem:$0x19200] =	vst v63  }
0x5e: {  	s20 =	simm.s32 $0x0;
	s21 =	simm.s32 $0x8200  }
0x5f: {  	[hbm4b:s8+s20] =	stream.linear.scatter [tilespmem:s21], [sflag:$0x5], $0x4000, $0x38;
	[tilespmem:$0x19200] =	vst v63  }
0x60: {  	_ =	swait.ge [sflag:s22], $0x4000  }
0x61: {  	[sflag:s22] =	ssyncset.done $0x0  }
0x62: {  	s15 =	simm.s32 $0x0;
	[sflag:s22] =	ssyncadd.s32 $0xFFFFC000  }
0x63: {  	v0 =	vld [tilespmem:s15+$0x43B0]  }
0x64: {  	v1 =	vld [tilespmem:s15+$0x4200]  }
0x65: {  	v2 =	vld [tilespmem:s15+$0x4210]  }
0x66: {  	v3 =	vld [tilespmem:s15+$0x4220]  }
0x67: {  	v4 =	vld [tilespmem:s15+$0x4230]  }
0x68: {  	v5 =	vld [tilespmem:s15+$0x4280];
	[tilespmem:s15+$0xC3B0] =	vst v0  }
0x69: {  	[tilespmem:s15+$0xC200] =	vst v1;
	v0 =	vld [tilespmem:s15+$0x4290]  }
0x6a: {  	[tilespmem:s15+$0xC210] =	vst v2;
	v1 =	vld [tilespmem:s15+$0x42A0]  }
0x6b: {  	[tilespmem:s15+$0xC220] =	vst v3;
	v2 =	vld [tilespmem:s15+$0x42B0]  }
0x6c: {  	[tilespmem:s15+$0xC230] =	vst v4;
	v3 =	vld [tilespmem:s15+$0x4300]  }
0x6d: {  	[tilespmem:s15+$0xC280] =	vst v5;
	v4 =	vld [tilespmem:s15+$0x4310]  }
0x6e: {  	[tilespmem:s15+$0xC290] =	vst v0;
	v0 =	vld [tilespmem:s15+$0x4320]  }
0x6f: {  	[tilespmem:s15+$0xC2A0] =	vst v1;
	v1 =	vld [tilespmem:s15+$0x4330]  }
0x70: {  	[tilespmem:s15+$0xC2B0] =	vst v2;
	v2 =	vld [tilespmem:s15+$0x4380]  }
0x71: {  	[tilespmem:s15+$0xC300] =	vst v3;
	v3 =	vld [tilespmem:s15+$0x4390]  }
0x72: {  	s20 =	simm.s32 $0x200;
	s21 =	simm.s32 $0x1000;
	[tilespmem:s15+$0xC310] =	vst v4;
	v4 =	vld [tilespmem:s15+$0x43A0]  }
.LBB2_4:
0x73: {  	p0 =	sne.s32 s21, $0xF800;
	v5 =	vld [tilespmem:s20+$0x43B0];
	[tilespmem:s15+$0xC320] =	vst v0  }
0x74: {  	v0 =	vld [tilespmem:s20+$0x4200];
	[tilespmem:s15+$0xC330] =	vst v1  }
0x75: {  	v1 =	vld [tilespmem:s20+$0x4210];
	[tilespmem:s15+$0xC380] =	vst v2  }
0x76: {  	v2 =	vld [tilespmem:s20+$0x4220];
	[tilespmem:s15+$0xC390] =	vst v3  }
0x77: {  	v3 =	vld [tilespmem:s20+$0x4230];
	[tilespmem:s15+$0xC3A0] =	vst v4;
	s15 =	smov.u32 s20  }
0x78: {  	v4 =	vld [tilespmem:s15+$0x4280];
	[tilespmem:s15+$0xC3B0] =	vst v5  }
0x79: {  	[tilespmem:s15+$0xC200] =	vst v0;
	v0 =	vld [tilespmem:s15+$0x4290]  }
0x7a: {  	[tilespmem:s15+$0xC210] =	vst v1;
	v1 =	vld [tilespmem:s15+$0x42A0]  }
0x7b: {  	[tilespmem:s15+$0xC220] =	vst v2;
	v2 =	vld [tilespmem:s15+$0x42B0]  }
0x7c: {  	[tilespmem:s15+$0xC230] =	vst v3;
	v3 =	vld [tilespmem:s15+$0x4300]  }
0x7d: {  	[tilespmem:s15+$0xC280] =	vst v4;
	v4 =	vld [tilespmem:s15+$0x4310]  }
.Ltmp1:
0x7e: {  	[tilespmem:s15+$0xC290] =	vst v0;
	v0 =	vld [tilespmem:s15+$0x4320];
	(pc) =	sbr.rel @p0 .LBB2_4-.Ltmp1, $4  }
0x7f: {  	[tilespmem:s15+$0xC2A0] =	vst v1;
	v1 =	vld [tilespmem:s15+$0x4330]  }
0x80: {  	[tilespmem:s15+$0xC2B0] =	vst v2;
	v2 =	vld [tilespmem:s15+$0x4380]  }
0x81: {  	[tilespmem:s15+$0xC300] =	vst v3;
	v3 =	vld [tilespmem:s15+$0x4390]  }
0x82: {  	s20 =	sshra.s32 s21, $0x2;
	s21 =	sadd.s32 $0x800, s21;
	[tilespmem:s15+$0xC310] =	vst v4;
	v4 =	vld [tilespmem:s15+$0x43A0]  }
0x83: {  	v5 =	vld [tilespmem:s20+$0x43B0];
	[tilespmem:s15+$0xC320] =	vst v0  }
0x84: {  	v0 =	vld [tilespmem:s20+$0x4200];
	[tilespmem:s15+$0xC330] =	vst v1  }
0x85: {  	v1 =	vld [tilespmem:s20+$0x4210];
	[tilespmem:s15+$0xC380] =	vst v2  }
0x86: {  	v2 =	vld [tilespmem:s20+$0x4220];
	[tilespmem:s15+$0xC390] =	vst v3  }
0x87: {  	v3 =	vld [tilespmem:s20+$0x4230];
	[tilespmem:s15+$0xC3A0] =	vst v4  }
0x88: {  	v4 =	vld [tilespmem:s20+$0x4280];
	[tilespmem:s20+$0xC3B0] =	vst v5  }
0x89: {  	[tilespmem:s20+$0xC200] =	vst v0;
	v0 =	vld [tilespmem:s20+$0x4290]  }
0x8a: {  	[tilespmem:s20+$0xC210] =	vst v1;
	v1 =	vld [tilespmem:s20+$0x42A0]  }
0x8b: {  	[tilespmem:s20+$0xC220] =	vst v2;
	v2 =	vld [tilespmem:s20+$0x42B0]  }
0x8c: {  	[tilespmem:s20+$0xC230] =	vst v3;
	v3 =	vld [tilespmem:s20+$0x4300]  }
0x8d: {  	[tilespmem:s20+$0xC280] =	vst v4;
	v4 =	vld [tilespmem:s20+$0x4310]  }
0x8e: {  	[tilespmem:s20+$0xC290] =	vst v0;
	v0 =	vld [tilespmem:s20+$0x4320]  }
0x8f: {  	[tilespmem:s20+$0xC2A0] =	vst v1;
	v1 =	vld [tilespmem:s20+$0x4330]  }
0x90: {  	[tilespmem:s20+$0xC2B0] =	vst v2;
	v2 =	vld [tilespmem:s20+$0x4380]  }
0x91: {  	[tilespmem:s20+$0xC300] =	vst v3;
	v3 =	vld [tilespmem:s20+$0x4390]  }
0x92: {  	[tilespmem:s20+$0xC310] =	vst v4;
	v4 =	vld [tilespmem:s20+$0x43A0]  }
0x93: {  	[tilespmem:s20+$0xC320] =	vst v0  }
0x94: {  	[tilespmem:s20+$0xC330] =	vst v1  }
0x95: {  	[tilespmem:s20+$0xC380] =	vst v2  }
0x96: {  	[tilespmem:s20+$0xC390] =	vst v3  }
0x97: {  	[tilespmem:s20+$0xC3A0] =	vst v4  }
0x98: {  	[tilespmem:s19], [sflag:$0x4] =	stream.indirect.gather [spmem:s2], $0x80, s23, s14, $0xb8;
	[tilespmem:$0x19200] =	vst v63  }
0x99: {  	s21 =	simm.s32 $0x0  }
0x9a: {  	[hbm4b:s9+s21] =	stream.linear.scatter [tilespmem:s24], [sflag:$0x6], $0x4000, $0x38;
	[tilespmem:$0x19200] =	vst v63  }
0x9b: {  	_ =	swait.ge [sflag:s25], $0x4000  }
0x9c: {  	[sflag:s25] =	ssyncset.done $0x0  }
0x9d: {  	s15 =	simm.s32 $0x0;
	[sflag:s25] =	ssyncadd.s32 $0xFFFFC000  }
0x9e: {  	v0 =	vld [tilespmem:s15+$0x3B0]  }
0x9f: {  	v1 =	vld [tilespmem:s15+$0x200]  }
0xa0: {  	v2 =	vld [tilespmem:s15+$0x210]  }
0xa1: {  	v3 =	vld [tilespmem:s15+$0x220]  }
0xa2: {  	v4 =	vld [tilespmem:s15+$0x230]  }
0xa3: {  	v5 =	vld [tilespmem:s15+$0x280];
	[tilespmem:s15+$0x103B0] =	vst v0  }
0xa4: {  	[tilespmem:s15+$0x10200] =	vst v1;
	v0 =	vld [tilespmem:s15+$0x290]  }
0xa5: {  	[tilespmem:s15+$0x10210] =	vst v2;
	v1 =	vld [tilespmem:s15+$0x2A0]  }
0xa6: {  	[tilespmem:s15+$0x10220] =	vst v3;
	v2 =	vld [tilespmem:s15+$0x2B0]  }
0xa7: {  	[tilespmem:s15+$0x10230] =	vst v4;
	v3 =	vld [tilespmem:s15+$0x300]  }
0xa8: {  	[tilespmem:s15+$0x10280] =	vst v5;
	v4 =	vld [tilespmem:s15+$0x310]  }
0xa9: {  	[tilespmem:s15+$0x10290] =	vst v0;
	v0 =	vld [tilespmem:s15+$0x320]  }
0xaa: {  	[tilespmem:s15+$0x102A0] =	vst v1;
	v1 =	vld [tilespmem:s15+$0x330]  }
0xab: {  	[tilespmem:s15+$0x102B0] =	vst v2;
	v2 =	vld [tilespmem:s15+$0x380]  }
0xac: {  	[tilespmem:s15+$0x10300] =	vst v3;
	v3 =	vld [tilespmem:s15+$0x390]  }
0xad: {  	s20 =	simm.s32 $0x200;
	s21 =	simm.s32 $0x1000;
	[tilespmem:s15+$0x10310] =	vst v4;
	v4 =	vld [tilespmem:s15+$0x3A0]  }
.LBB2_6:
0xae: {  	p0 =	sne.s32 s21, $0xF800;
	v5 =	vld [tilespmem:s20+$0x3B0];
	[tilespmem:s15+$0x10320] =	vst v0  }
0xaf: {  	v0 =	vld [tilespmem:s20+$0x200];
	[tilespmem:s15+$0x10330] =	vst v1  }
0xb0: {  	v1 =	vld [tilespmem:s20+$0x210];
	[tilespmem:s15+$0x10380] =	vst v2  }
0xb1: {  	v2 =	vld [tilespmem:s20+$0x220];
	[tilespmem:s15+$0x10390] =	vst v3  }
0xb2: {  	v3 =	vld [tilespmem:s20+$0x230];
	[tilespmem:s15+$0x103A0] =	vst v4;
	s15 =	smov.u32 s20  }
0xb3: {  	v4 =	vld [tilespmem:s15+$0x280];
	[tilespmem:s15+$0x103B0] =	vst v5  }
0xb4: {  	[tilespmem:s15+$0x10200] =	vst v0;
	v0 =	vld [tilespmem:s15+$0x290]  }
0xb5: {  	[tilespmem:s15+$0x10210] =	vst v1;
	v1 =	vld [tilespmem:s15+$0x2A0]  }
0xb6: {  	[tilespmem:s15+$0x10220] =	vst v2;
	v2 =	vld [tilespmem:s15+$0x2B0]  }
0xb7: {  	[tilespmem:s15+$0x10230] =	vst v3;
	v3 =	vld [tilespmem:s15+$0x300]  }
0xb8: {  	[tilespmem:s15+$0x10280] =	vst v4;
	v4 =	vld [tilespmem:s15+$0x310]  }
.Ltmp2:
0xb9: {  	[tilespmem:s15+$0x10290] =	vst v0;
	v0 =	vld [tilespmem:s15+$0x320];
	(pc) =	sbr.rel @p0 .LBB2_6-.Ltmp2, $4  }
0xba: {  	[tilespmem:s15+$0x102A0] =	vst v1;
	v1 =	vld [tilespmem:s15+$0x330]  }
0xbb: {  	[tilespmem:s15+$0x102B0] =	vst v2;
	v2 =	vld [tilespmem:s15+$0x380]  }
0xbc: {  	[tilespmem:s15+$0x10300] =	vst v3;
	v3 =	vld [tilespmem:s15+$0x390]  }
0xbd: {  	s20 =	sshra.s32 s21, $0x2;
	s21 =	sadd.s32 $0x800, s21;
	[tilespmem:s15+$0x10310] =	vst v4;
	v4 =	vld [tilespmem:s15+$0x3A0]  }
0xbe: {  	v5 =	vld [tilespmem:s20+$0x3B0];
	[tilespmem:s15+$0x10320] =	vst v0  }
0xbf: {  	v0 =	vld [tilespmem:s20+$0x200];
	[tilespmem:s15+$0x10330] =	vst v1  }
0xc0: {  	v1 =	vld [tilespmem:s20+$0x210];
	[tilespmem:s15+$0x10380] =	vst v2  }
0xc1: {  	v2 =	vld [tilespmem:s20+$0x220];
	[tilespmem:s15+$0x10390] =	vst v3  }
0xc2: {  	v3 =	vld [tilespmem:s20+$0x230];
	[tilespmem:s15+$0x103A0] =	vst v4  }
0xc3: {  	v4 =	vld [tilespmem:s20+$0x280];
	[tilespmem:s20+$0x103B0] =	vst v5  }
0xc4: {  	[tilespmem:s20+$0x10200] =	vst v0;
	v0 =	vld [tilespmem:s20+$0x290]  }
0xc5: {  	[tilespmem:s20+$0x10210] =	vst v1;
	v1 =	vld [tilespmem:s20+$0x2A0]  }
0xc6: {  	[tilespmem:s20+$0x10220] =	vst v2;
	v2 =	vld [tilespmem:s20+$0x2B0]  }
0xc7: {  	[tilespmem:s20+$0x10230] =	vst v3;
	v3 =	vld [tilespmem:s20+$0x300]  }
0xc8: {  	[tilespmem:s20+$0x10280] =	vst v4;
	v4 =	vld [tilespmem:s20+$0x310]  }
0xc9: {  	[tilespmem:s20+$0x10290] =	vst v0;
	v0 =	vld [tilespmem:s20+$0x320]  }
0xca: {  	[tilespmem:s20+$0x102A0] =	vst v1;
	v1 =	vld [tilespmem:s20+$0x330]  }
0xcb: {  	[tilespmem:s20+$0x102B0] =	vst v2;
	v2 =	vld [tilespmem:s20+$0x380]  }
0xcc: {  	[tilespmem:s20+$0x10300] =	vst v3;
	v3 =	vld [tilespmem:s20+$0x390]  }
0xcd: {  	[tilespmem:s20+$0x10310] =	vst v4;
	v4 =	vld [tilespmem:s20+$0x3A0]  }
0xce: {  	[tilespmem:s20+$0x10320] =	vst v0  }
0xcf: {  	[tilespmem:s20+$0x10330] =	vst v1  }
0xd0: {  	[tilespmem:s20+$0x10380] =	vst v2  }
0xd1: {  	[tilespmem:s20+$0x10390] =	vst v3  }
0xd2: {  	s21 =	simm.s32 $0x0;
	[tilespmem:s20+$0x103A0] =	vst v4  }
0xd3: {  	[hbm4b:s10+s21] =	stream.linear.scatter [tilespmem:s26], [sflag:$0x7], $0x4000, $0x38;
	[tilespmem:$0x19200] =	vst v63  }
0xd4: {  	_ =	swait.ge [sflag:s28], $0x4000  }
0xd5: {  	[sflag:s28] =	ssyncset.done $0x0  }
0xd6: {  	s15 =	simm.s32 $0x0;
	[sflag:s28] =	ssyncadd.s32 $0xFFFFC000  }
0xd7: {  	v0 =	vld [tilespmem:s15+$0x43B0]  }
0xd8: {  	v1 =	vld [tilespmem:s15+$0x4200]  }
0xd9: {  	v2 =	vld [tilespmem:s15+$0x4210]  }
0xda: {  	v3 =	vld [tilespmem:s15+$0x4220]  }
0xdb: {  	v4 =	vld [tilespmem:s15+$0x4230]  }
0xdc: {  	v5 =	vld [tilespmem:s15+$0x4280];
	[tilespmem:s15+$0x143B0] =	vst v0  }
0xdd: {  	[tilespmem:s15+$0x14200] =	vst v1;
	v0 =	vld [tilespmem:s15+$0x4290]  }
0xde: {  	[tilespmem:s15+$0x14210] =	vst v2;
	v1 =	vld [tilespmem:s15+$0x42A0]  }
0xdf: {  	[tilespmem:s15+$0x14220] =	vst v3;
	v2 =	vld [tilespmem:s15+$0x42B0]  }
0xe0: {  	[tilespmem:s15+$0x14230] =	vst v4;
	v3 =	vld [tilespmem:s15+$0x4300]  }
0xe1: {  	[tilespmem:s15+$0x14280] =	vst v5;
	v4 =	vld [tilespmem:s15+$0x4310]  }
0xe2: {  	[tilespmem:s15+$0x14290] =	vst v0;
	v0 =	vld [tilespmem:s15+$0x4320]  }
0xe3: {  	[tilespmem:s15+$0x142A0] =	vst v1;
	v1 =	vld [tilespmem:s15+$0x4330]  }
0xe4: {  	[tilespmem:s15+$0x142B0] =	vst v2;
	v2 =	vld [tilespmem:s15+$0x4380]  }
0xe5: {  	[tilespmem:s15+$0x14300] =	vst v3;
	v3 =	vld [tilespmem:s15+$0x4390]  }
0xe6: {  	s20 =	simm.s32 $0x200;
	s21 =	simm.s32 $0x1000;
	[tilespmem:s15+$0x14310] =	vst v4;
	v4 =	vld [tilespmem:s15+$0x43A0]  }
.LBB2_8:
0xe7: {  	p0 =	sne.s32 s21, $0xF800;
	v5 =	vld [tilespmem:s20+$0x43B0];
	[tilespmem:s15+$0x14320] =	vst v0  }
0xe8: {  	v0 =	vld [tilespmem:s20+$0x4200];
	[tilespmem:s15+$0x14330] =	vst v1  }
0xe9: {  	v1 =	vld [tilespmem:s20+$0x4210];
	[tilespmem:s15+$0x14380] =	vst v2  }
0xea: {  	v2 =	vld [tilespmem:s20+$0x4220];
	[tilespmem:s15+$0x14390] =	vst v3  }
0xeb: {  	v3 =	vld [tilespmem:s20+$0x4230];
	[tilespmem:s15+$0x143A0] =	vst v4;
	s15 =	smov.u32 s20  }
0xec: {  	v4 =	vld [tilespmem:s15+$0x4280];
	[tilespmem:s15+$0x143B0] =	vst v5  }
0xed: {  	[tilespmem:s15+$0x14200] =	vst v0;
	v0 =	vld [tilespmem:s15+$0x4290]  }
0xee: {  	[tilespmem:s15+$0x14210] =	vst v1;
	v1 =	vld [tilespmem:s15+$0x42A0]  }
0xef: {  	[tilespmem:s15+$0x14220] =	vst v2;
	v2 =	vld [tilespmem:s15+$0x42B0]  }
0xf0: {  	[tilespmem:s15+$0x14230] =	vst v3;
	v3 =	vld [tilespmem:s15+$0x4300]  }
0xf1: {  	[tilespmem:s15+$0x14280] =	vst v4;
	v4 =	vld [tilespmem:s15+$0x4310]  }
.Ltmp3:
0xf2: {  	[tilespmem:s15+$0x14290] =	vst v0;
	v0 =	vld [tilespmem:s15+$0x4320];
	(pc) =	sbr.rel @p0 .LBB2_8-.Ltmp3, $4  }
0xf3: {  	[tilespmem:s15+$0x142A0] =	vst v1;
	v1 =	vld [tilespmem:s15+$0x4330]  }
0xf4: {  	[tilespmem:s15+$0x142B0] =	vst v2;
	v2 =	vld [tilespmem:s15+$0x4380]  }
0xf5: {  	[tilespmem:s15+$0x14300] =	vst v3;
	v3 =	vld [tilespmem:s15+$0x4390]  }
0xf6: {  	s20 =	sshra.s32 s21, $0x2;
	s21 =	sadd.s32 $0x800, s21;
	[tilespmem:s15+$0x14310] =	vst v4;
	v4 =	vld [tilespmem:s15+$0x43A0]  }
0xf7: {  	v5 =	vld [tilespmem:s20+$0x43B0];
	[tilespmem:s15+$0x14320] =	vst v0  }
0xf8: {  	v0 =	vld [tilespmem:s20+$0x4200];
	[tilespmem:s15+$0x14330] =	vst v1  }
0xf9: {  	v1 =	vld [tilespmem:s20+$0x4210];
	[tilespmem:s15+$0x14380] =	vst v2  }
0xfa: {  	v2 =	vld [tilespmem:s20+$0x4220];
	[tilespmem:s15+$0x14390] =	vst v3  }
0xfb: {  	v3 =	vld [tilespmem:s20+$0x4230];
	[tilespmem:s15+$0x143A0] =	vst v4  }
0xfc: {  	v4 =	vld [tilespmem:s20+$0x4280];
	[tilespmem:s20+$0x143B0] =	vst v5  }
0xfd: {  	v54 =	vld [tilespmem:s20+$0x4290];
	[tilespmem:s20+$0x14200] =	vst v0  }
0xfe: {  	v55 =	vld [tilespmem:s20+$0x42A0];
	[tilespmem:s20+$0x14210] =	vst v1  }
0xff: {  	v56 =	vld [tilespmem:s20+$0x42B0];
	[tilespmem:s20+$0x14220] =	vst v2  }
0x100: {  	v57 =	vld [tilespmem:s20+$0x4300];
	[tilespmem:s20+$0x14230] =	vst v3  }
0x101: {  	v58 =	vld [tilespmem:s20+$0x4310];
	[tilespmem:s20+$0x14280] =	vst v4  }
0x102: {  	v59 =	vld [tilespmem:s20+$0x4320];
	[tilespmem:s20+$0x14290] =	vst v54  }
0x103: {  	v60 =	vld [tilespmem:s20+$0x4330];
	[tilespmem:s20+$0x142A0] =	vst v55  }
0x104: {  	v61 =	vld [tilespmem:s20+$0x4380];
	[tilespmem:s20+$0x142B0] =	vst v56  }
0x105: {  	v62 =	vld [tilespmem:s20+$0x4390];
	[tilespmem:s20+$0x14300] =	vst v57  }
0x106: {  	v63 =	vld [tilespmem:s20+$0x43A0];
	[tilespmem:s20+$0x14310] =	vst v58  }
0x107: {  	[tilespmem:s20+$0x14320] =	vst v59  }
0x108: {  	[tilespmem:s20+$0x14330] =	vst v60  }
0x109: {  	[tilespmem:s20+$0x14380] =	vst v61  }
0x10a: {  	[tilespmem:s20+$0x14390] =	vst v62  }
0x10b: {  	[tilespmem:s20+$0x143A0] =	vst v63  }
0x10c: {  	[hbm4b:s11+s3] =	stream.linear.scatter [tilespmem:s29], [sflag:$0x8], $0x4000, $0x38;
	[tilespmem:$0x19200] =	vst v63  }
0x10d: {  	_ =	swait.ge [sflag:s17], $0x4000  }
0x10e: {  	[sflag:s17] =	ssyncset.done $0x0  }
0x10f: {  	[sflag:s17] =	ssyncadd.s32 $0xFFFFC000  }
0x110: {  	_ =	swait.ge [sflag:s30], $0x4000  }
0x111: {  	[sflag:s30] =	ssyncset.done $0x0  }
0x112: {  	s0 =	sadd.s32 $0x1, s0;
	[sflag:s30] =	ssyncadd.s32 $0xFFFFC000  }
0x113: {  	p0 =	sne.s32 s0, s12;
	_ =	swait.ge [sflag:s31], $0x4000  }
.Ltmp4:
0x114: {  	[sflag:s31] =	ssyncset.done $0x0;
	(pc) =	sbr.rel @p0 .LBB2_1-.Ltmp4, $4  }
0x115: {  	[sflag:s31] =	ssyncadd.s32 $0xFFFFC000  }
0x116: {  	_ =	swait.ge [sflag:s1], $0x4000  }
0x117: {  	[sflag:s1] =	ssyncset.done $0x0  }
0x118: {  	[sflag:s1] =	ssyncadd.s32 $0xFFFFC000  }
0x119: {  	_ =	sfence.sel $0x180000  }
0x11a: {  	[bflag:$0x0] =	sbarrier.arrive $0xFFFF  }
0x11b: {  	_ =	strace $0x90000047  }
0x11c: {  	s0 =	stileid.u32;
	[bflag:$0x2] =	sbarrier.arrive $0xFFFF  }
0x11d: {  	p0 =	sne.s32 s0, $0x0;
	s0 =	rddreg [dreg:$0x4]  }
0x11e: {  	s0 =	sadd.s32 @!p0 $0x100000, s0  }
0x11f: {  	[sflag:s0] =	ssyncadd.tile.s32 @!p0 $0x1;
	_ =	shalt  }
.Lfunc_end2:
_tile_overlayer_lowered:
.L_overlay_start_2:
0x120: {  	(tag) =	ssettag $0x2  }
0x121: {  	s0 =	rddreg [dreg:$0x0];
	s2 =	stileid.u32  }
0x122: {  	s1 =	rddreg [dreg:$0x1];
	p0 =	sne.s32 s2, $0x0  }
0x123: {  	s3 =	rddreg [dreg:$0x2];
	[bflag:$0x3] =	sbarrier.arrive $0xFFFF;
	s2 =	simm.s32 @!p0 $0x1C09  }
0x124: {  	[timem:s3], [sflag:s2] =	dma.local @!p0 [hbm:s0], s1  }
0x125: {  	s0 =	simm.s32 @!p0 $0x9  }
0x126: {  	_ =	swait.ge @!p0 [sflag:s0], s1  }
0x127: {  	s1 =	ssub.s32 @!p0 $0x0, s1;
	[sflag:s0] =	ssyncset.done @!p0 $0x0  }
0x128: {  	[sflag:s0] =	ssyncadd.s32 @!p0 s1  }
0x129: {  	[bflag:$0x3] =	sbarrier.arrive $0xFFFF  }
0x12a: {  	_ =	shalt  }

</sc_bundles>
